<compile_context>
chip_gen: v7x
topology: tpu7x:2x2x1
jax: 0.10.2.dev20260603
libtpu: 0.0.44.dev20260713+nightly
codegen_flags: <defaults>
</compile_context>

<pallas_src>
import functools

import jax
import jax.numpy as jnp
from jax import lax
from jax.experimental import pallas as pl
from jax.experimental.pallas import tpu as pltpu
from jax.experimental.pallas import tpu_sc as plsc

B, D_IN, D_EMB, D_HID, K = 16384, 128, 32, 256, 8192
BETA = 0.25


def _mm(a, b):
    return jnp.dot(a.astype(jnp.bfloat16), b.astype(jnp.bfloat16),
                   preferred_element_type=jnp.float32)

TB1 = 256
NB1 = B // TB1
KC = 2048
NKC = K // KC


def _enc_vq_body(x_ref, w1, b1, w2, b2, w3, b3, cbt_ref,
                 ze_ref, idx_ref, cnorm_scr):
    i = pl.program_id(0)

    @pl.when(i == 0)
    def _():
        cbt = cbt_ref[...]
        cnorm_scr[...] = jnp.sum(cbt * cbt, axis=0, keepdims=True)

    x = x_ref[...]
    h = jnp.maximum(_mm(x, w1[...])
                    + b1[...], 0.0)
    h = jnp.maximum(_mm(h, w2[...])
                    + b2[...], 0.0)
    z_e = _mm(h, w3[...]) + b3[...]
    ze_ref[...] = z_e

    znorm = jnp.sum(z_e * z_e, axis=1, keepdims=True)
    best = jnp.full((TB1, 1), jnp.inf, jnp.float32)
    bidx = jnp.zeros((TB1, 1), jnp.int32)
    for c in range(NKC):
        cbt_c = cbt_ref[:, pl.ds(c * KC, KC)]
        zc = _mm(z_e, cbt_c)
        d = (znorm - 2.0 * zc) + cnorm_scr[:, pl.ds(c * KC, KC)]
        mind = jnp.min(d, axis=1, keepdims=True)
        iota = lax.broadcasted_iota(jnp.int32, (TB1, KC), 1) + c * KC
        lidx = jnp.min(jnp.where(d == mind, iota, K), axis=1, keepdims=True)
        take = mind < best
        best = jnp.where(take, mind, best)
        bidx = jnp.where(take, lidx, bidx)
    idx_ref[...] = bidx


def _full(shape):
    return pl.BlockSpec(shape, lambda i: tuple(0 for _ in shape))


def _enc_vq(x, w1, b1, w2, b2, w3, b3, cbt):
    return pl.pallas_call(
        _enc_vq_body,
        grid=(NB1,),
        in_specs=[
            pl.BlockSpec((TB1, D_IN), lambda i: (i, 0)),
            _full((D_IN, D_HID)), _full((1, D_HID)),
            _full((D_HID, D_HID)), _full((1, D_HID)),
            _full((D_HID, D_EMB)), _full((1, D_EMB)),
            _full((D_EMB, K)),
        ],
        out_specs=[
            pl.BlockSpec((TB1, D_EMB), lambda i: (i, 0)),
            pl.BlockSpec((TB1, 1), lambda i: (i, 0)),
        ],
        out_shape=[
            jax.ShapeDtypeStruct((B, D_EMB), jnp.float32),
            jax.ShapeDtypeStruct((B, 1), jnp.int32),
        ],
        scratch_shapes=[pltpu.VMEM((1, K), jnp.float32)],
    )(x, w1, b1, w2, b2, w3, b3, cbt)


NC, NS = 2, 16
NW = NC * NS
RPW = B // NW
CH = 128
NCH = RPW // CH
RPT = K // NS
HW = 16


def _gather_hist(idx3, codebook, zer, one):
    mesh = plsc.VectorSubcoreMesh(core_axis_name="c", subcore_axis_name="s")

    @functools.partial(
        pl.kernel,
        out_type=[
            jax.ShapeDtypeStruct((NW, NCH, CH, D_EMB), jnp.float32),
            jax.ShapeDtypeStruct((NC, K, HW), jnp.float32),
        ],
        mesh=mesh,
        compiler_params=pltpu.CompilerParams(use_tc_tiling_on_sc=False),
        scratch_types=[
            pltpu.VMEM((NCH, CH), jnp.int32),
            pltpu.VMEM((NCH, CH, D_EMB), jnp.float32),
            pltpu.VMEM((CH, HW), jnp.float32),
            pltpu.VMEM_SHARED((K, HW), jnp.float32),
            pltpu.SemaphoreType.DMA,
        ],
    )
    def sc_kernel(idx_hbm, cb_hbm, zer_hbm, one_hbm, zq_hbm, hist_hbm,
                  idx_v, rows_v, one_v, hist_sh, sem):
        cid = lax.axis_index("c")
        sid = lax.axis_index("s")
        wid = cid * NS + sid
        pltpu.sync_copy(idx_hbm.at[wid], idx_v)
        pltpu.sync_copy(one_hbm, one_v)
        pltpu.sync_copy(zer_hbm.at[pl.ds(sid * RPT, RPT)],
                        hist_sh.at[pl.ds(sid * RPT, RPT)])
        copies = [
            pltpu.async_copy(cb_hbm.at[idx_v.at[j]], rows_v.at[j], sem)
            for j in range(NCH)
        ]
        plsc.subcore_barrier()
        for j in range(NCH):
            pltpu.sync_copy(one_v, hist_sh.at[idx_v.at[j]], add=True)
        for c in copies:
            c.wait()
        pltpu.sync_copy(rows_v, zq_hbm.at[wid])
        plsc.subcore_barrier()
        pltpu.sync_copy(hist_sh.at[pl.ds(sid * RPT, RPT)],
                        hist_hbm.at[cid, pl.ds(sid * RPT, RPT)])

    return sc_kernel(idx3, codebook, zer, one)


TB3 = 512
NB3 = B // TB3


def _dec_body(zq_ref, ze_ref, w1, b1, w2, b2, w3, b3, hist_ref,
              xh_ref, zqst_ref, loss_ref, perp_ref):
    i = pl.program_id(0)
    zq = zq_ref[...]
    ze = ze_ref[...]
    zqst = ze + (zq - ze)
    zqst_ref[...] = zqst
    g = jnp.maximum(_mm(zqst, w1[...])
                    + b1[...], 0.0)
    g = jnp.maximum(_mm(g, w2[...])
                    + b2[...], 0.0)
    xh_ref[...] = _mm(g, w3[...]) + b3[...]

    diff = zq - ze
    part = jnp.sum(diff * diff)

    @pl.when(i == 0)
    def _():
        loss_ref[...] = part.reshape(1, 1)
        counts = jnp.sum(hist_ref[0] + hist_ref[1], axis=1, keepdims=True) * (1.0 / HW)
        probs = counts / jnp.sum(counts)
        ent = jnp.sum(probs * jnp.log(probs + 1e-10))
        perp_ref[...] = jnp.exp(-ent).reshape(1, 1)

    @pl.when(i > 0)
    def _():
        loss_ref[...] = loss_ref[...] + part.reshape(1, 1)

    @pl.when(i == NB3 - 1)
    def _():
        loss_ref[...] = loss_ref[...] * ((1.0 + BETA) / (B * D_EMB))


def _decode(zq, ze, w1, b1, w2, b2, w3, b3, hist):
    return pl.pallas_call(
        _dec_body,
        grid=(NB3,),
        in_specs=[
            pl.BlockSpec((TB3, D_EMB), lambda i: (i, 0)),
            pl.BlockSpec((TB3, D_EMB), lambda i: (i, 0)),
            _full((D_EMB, D_HID)), _full((1, D_HID)),
            _full((D_HID, D_HID)), _full((1, D_HID)),
            _full((D_HID, D_IN)), _full((1, D_IN)),
            pl.BlockSpec((NC, K, HW), lambda i: (0, 0, 0)),
        ],
        out_specs=[
            pl.BlockSpec((TB3, D_IN), lambda i: (i, 0)),
            pl.BlockSpec((TB3, D_EMB), lambda i: (i, 0)),
            pl.BlockSpec((1, 1), lambda i: (0, 0)),
            pl.BlockSpec((1, 1), lambda i: (0, 0)),
        ],
        out_shape=[
            jax.ShapeDtypeStruct((B, D_IN), jnp.float32),
            jax.ShapeDtypeStruct((B, D_EMB), jnp.float32),
            jax.ShapeDtypeStruct((1, 1), jnp.float32),
            jax.ShapeDtypeStruct((1, 1), jnp.float32),
        ],
    )(zq, ze, w1, b1, w2, b2, w3, b3, hist)


def kernel(x, enc_w1, enc_b1, enc_w2, enc_b2, enc_w3, enc_b3,
           dec_w1, dec_b1, dec_w2, dec_b2, dec_w3, dec_b3, codebook):
    eb1 = enc_b1.reshape(1, D_HID)
    eb2 = enc_b2.reshape(1, D_HID)
    eb3 = enc_b3.reshape(1, D_EMB)
    db1 = dec_b1.reshape(1, D_HID)
    db2 = dec_b2.reshape(1, D_HID)
    db3 = dec_b3.reshape(1, D_IN)
    cbt = codebook.T

    ze, idx2 = _enc_vq(x, enc_w1, eb1, enc_w2, eb2, enc_w3, eb3, cbt)
    indices = idx2.reshape(B)

    zer = jnp.zeros((K, HW), jnp.float32)
    one = jnp.ones((CH, HW), jnp.float32)
    zq4, hist = _gather_hist(indices.reshape(NW, NCH, CH), codebook, zer, one)
    zq = zq4.reshape(B, D_EMB)

    xh, zqst, loss11, perp11 = _decode(zq, ze, dec_w1, db1, dec_w2, db2,
                                       dec_w3, db3, hist)
    return (xh, ze, zqst, indices, loss11.reshape(()), perp11.reshape(()))

# --- scband reference (transcript-rebuilt; emitter-appended) ---
"""Pipeline reference for scband-frame-vqvae-10969346474105 (READ-ONLY COPY).

The authoritative reference and input builder live on the scoring server;
editing this copy changes nothing except your own understanding.
"""

import jax, jax.numpy as jnp
import numpy as np

B, D_IN, D_EMB, D_HID, K = 16384, 128, 32, 256, 8192
BETA = 0.25

def setup_inputs(seed: int = 0) -> dict:
    key = jax.random.key(seed)
    ks = jax.random.split(key, 16)
    def w(k, shape, fan_in):
        return jax.random.normal(k, shape, dtype=jnp.float32) * (1.0 / np.sqrt(fan_in))
    return {
        "x": jax.random.normal(ks[0], (B, D_IN), dtype=jnp.float32),
        "enc_w1": w(ks[1], (D_IN, D_HID), D_IN),
        "enc_b1": jnp.zeros((D_HID,), jnp.float32),
        "enc_w2": w(ks[2], (D_HID, D_HID), D_HID),
        "enc_b2": jnp.zeros((D_HID,), jnp.float32),
        "enc_w3": w(ks[3], (D_HID, D_EMB), D_HID),
        "enc_b3": jnp.zeros((D_EMB,), jnp.float32),
        "dec_w1": w(ks[4], (D_EMB, D_HID), D_EMB),
        "dec_b1": jnp.zeros((D_HID,), jnp.float32),
        "dec_w2": w(ks[5], (D_HID, D_HID), D_HID),
        "dec_b2": jnp.zeros((D_HID,), jnp.float32),
        "dec_w3": w(ks[6], (D_HID, D_IN), D_HID),
        "dec_b3": jnp.zeros((D_IN,), jnp.float32),
        "codebook": jax.random.normal(ks[7], (K, D_EMB), dtype=jnp.float32) * 0.1,
    }

def reference(x, enc_w1, enc_b1, enc_w2, enc_b2, enc_w3, enc_b3,
              dec_w1, dec_b1, dec_w2, dec_b2, dec_w3, dec_b3, codebook):
    # Encoder MLP
    h = jax.nn.relu(x @ enc_w1 + enc_b1)
    h = jax.nn.relu(h @ enc_w2 + enc_b2)
    z_e = h @ enc_w3 + enc_b3
    # Vector quantization: nearest codebook vector by squared L2 distance
    d = (jnp.sum(z_e ** 2, axis=1, keepdims=True)
         - 2.0 * (z_e @ codebook.T)
         + jnp.sum(codebook ** 2, axis=1)[None, :])
    indices = jnp.argmin(d, axis=1)
    z_q = jnp.take(codebook, indices, axis=0)
    codebook_loss = jnp.mean((z_q - jax.lax.stop_gradient(z_e)) ** 2)
    commit_loss = jnp.mean((jax.lax.stop_gradient(z_q) - z_e) ** 2)
    quant_loss = codebook_loss + BETA * commit_loss
    # Straight-through estimator
    z_q_st = z_e + jax.lax.stop_gradient(z_q - z_e)
    counts = jnp.bincount(indices, length=K).astype(jnp.float32)
    probs = counts / jnp.sum(counts)
    perplexity = jnp.exp(-jnp.sum(probs * jnp.log(probs + 1e-10)))
    # Decoder MLP
    g = jax.nn.relu(z_q_st @ dec_w1 + dec_b1)
    g = jax.nn.relu(g @ dec_w2 + dec_b2)
    x_hat = g @ dec_w3 + dec_b3
    return (x_hat, z_e, z_q_st, indices, quant_loss, perplexity)

if __name__ == "__main__":
    import jax
    _d = setup_inputs()
    print(jax.jit(kernel)(*tuple(_d.values())))

</pallas_src>

<mosaic_0001>
#map = affine_map<(d0, d1) -> (0, 0, 0)>
#map1 = affine_map<(d0, d1) -> (0, 0)>
#map2 = affine_map<(d0, d1) -> (0, 0, 0, 0)>
module attributes {stable_mosaic.version = 14 : i64} {
  func.func @sc_kernel(%arg0: i32, %arg1: i32, %arg2: memref<32x4x128xi32, #tpu.memory_space<hbm>>, %arg3: memref<8192x32xf32, #tpu.memory_space<hbm>>, %arg4: memref<8192x16xf32, #tpu.memory_space<hbm>>, %arg5: memref<128x16xf32, #tpu.memory_space<hbm>>, %arg6: memref<32x4x128x32xf32, #tpu.memory_space<hbm>>, %arg7: memref<2x8192x16xf32, #tpu.memory_space<hbm>>, %arg8: memref<4x128xi32, #tpu.memory_space<vmem>>, %arg9: memref<4x128x32xf32, #tpu.memory_space<vmem>>, %arg10: memref<128x16xf32, #tpu.memory_space<vmem>>, %arg11: memref<8192x16xf32, #tpu.memory_space<vmem_shared>>, %arg12: memref<!tpu.dma_semaphore, #tpu.memory_space<semaphore_mem>>) attributes {dimension_semantics = [#tpu.dimension_semantics<core_parallel>, #tpu.dimension_semantics<subcore_parallel>], iteration_bounds = array<i64: 2, 16>, scalar_prefetch = 0 : i64, scratch_operands = 5 : i64, tpu.core_type = #tpu.core_type<sc_vector_subcore>, window_params = [{transform_indices = #map}, {transform_indices = #map1}, {transform_indices = #map1}, {transform_indices = #map1}, {transform_indices = #map2}, {transform_indices = #map}]} {
    %mul3A = arith.constant 16 : i32
    %mul3A_0 = arith.muli %arg0, %mul3A : i32
    %add3A = arith.addi %mul3A_0, %arg1 : i32
    "tpu.region"() ({
      %run_scoped3A_107 = tpu.sem_alloc : memref<!tpu.dma_semaphore, #tpu.memory_space<semaphore_mem>>
      %dma_start3A_108 = arith.constant 0 : i32
      %dma_start3A_109 = arith.constant 0 : i32
      %dma_start3A_110 = tpu.memref_slice %arg2[%add3A, %dma_start3A_108, %dma_start3A_109] : memref<32x4x128xi32, #tpu.memory_space<hbm>> -> memref<1x4x128xi32, #tpu.memory_space<hbm>>
      %dma_start3A_111 = tpu.memref_squeeze %dma_start3A_110 : memref<1x4x128xi32, #tpu.memory_space<hbm>> -> memref<4x128xi32, #tpu.memory_space<hbm>>
      %dma_start3A_112 = arith.constant 0 : i32
      %dma_start3A_113 = arith.constant 0 : i32
      %dma_start3A_114 = tpu.memref_slice %arg2[%add3A, %dma_start3A_112, %dma_start3A_113] : memref<32x4x128xi32, #tpu.memory_space<hbm>> -> memref<1x4x128xi32, #tpu.memory_space<hbm>>
      %dma_start3A_115 = tpu.memref_squeeze %dma_start3A_114 : memref<1x4x128xi32, #tpu.memory_space<hbm>> -> memref<4x128xi32, #tpu.memory_space<hbm>>
      tpu.enqueue_dma source(%dma_start3A_115 : memref<4x128xi32, #tpu.memory_space<hbm>>) target(%arg8 : memref<4x128xi32, #tpu.memory_space<vmem>>) target_semaphore(%run_scoped3A_107 : memref<!tpu.dma_semaphore, #tpu.memory_space<semaphore_mem>>)
      %dma_wait3A_116 = arith.constant 0 : i32
      %dma_wait3A_117 = arith.constant 0 : i32
      %dma_wait3A_118 = tpu.memref_slice %arg2[%add3A, %dma_wait3A_116, %dma_wait3A_117] : memref<32x4x128xi32, #tpu.memory_space<hbm>> -> memref<1x4x128xi32, #tpu.memory_space<hbm>>
      %dma_wait3A_119 = tpu.memref_squeeze %dma_wait3A_118 : memref<1x4x128xi32, #tpu.memory_space<hbm>> -> memref<4x128xi32, #tpu.memory_space<hbm>>
      %dma_wait3A_120 = arith.constant 0 : i32
      %dma_wait3A_121 = arith.constant 0 : i32
      %dma_wait3A_122 = tpu.memref_slice %arg2[%add3A, %dma_wait3A_120, %dma_wait3A_121] : memref<32x4x128xi32, #tpu.memory_space<hbm>> -> memref<1x4x128xi32, #tpu.memory_space<hbm>>
      %dma_wait3A_123 = tpu.memref_squeeze %dma_wait3A_122 : memref<1x4x128xi32, #tpu.memory_space<hbm>> -> memref<4x128xi32, #tpu.memory_space<hbm>>
      tpu.wait_dma2 semaphore(%run_scoped3A_107 : memref<!tpu.dma_semaphore, #tpu.memory_space<semaphore_mem>>) src(%dma_wait3A_123 : memref<4x128xi32, #tpu.memory_space<hbm>>) dst(%arg8 : memref<4x128xi32, #tpu.memory_space<vmem>>)
      tpu.yield
    }) : () -> ()
    "tpu.region"() ({
      %run_scoped3A_107 = tpu.sem_alloc : memref<!tpu.dma_semaphore, #tpu.memory_space<semaphore_mem>>
      tpu.enqueue_dma source(%arg5 : memref<128x16xf32, #tpu.memory_space<hbm>>) target(%arg10 : memref<128x16xf32, #tpu.memory_space<vmem>>) target_semaphore(%run_scoped3A_107 : memref<!tpu.dma_semaphore, #tpu.memory_space<semaphore_mem>>)
      tpu.wait_dma2 semaphore(%run_scoped3A_107 : memref<!tpu.dma_semaphore, #tpu.memory_space<semaphore_mem>>) src(%arg5 : memref<128x16xf32, #tpu.memory_space<hbm>>) dst(%arg10 : memref<128x16xf32, #tpu.memory_space<vmem>>)
      tpu.yield
    }) : () -> ()
    %mul3A_1 = arith.constant 512 : i32
    %mul3A_2 = arith.muli %arg1, %mul3A_1 : i32
    %mul3A_3 = arith.constant 512 : i32
    %mul3A_4 = arith.muli %arg1, %mul3A_3 : i32
    "tpu.region"() ({
      %run_scoped3A_107 = tpu.sem_alloc : memref<!tpu.dma_semaphore, #tpu.memory_space<semaphore_mem>>
      %dma_start3A_108 = arith.constant 0 : i32
      %dma_start3A_109 = tpu.memref_slice %arg11[%mul3A_4, %dma_start3A_108] : memref<8192x16xf32, #tpu.memory_space<vmem_shared>> -> memref<512x16xf32, #tpu.memory_space<vmem_shared>>
      %dma_start3A_110 = arith.constant 0 : i32
      %dma_start3A_111 = tpu.memref_slice %arg4[%mul3A_2, %dma_start3A_110] : memref<8192x16xf32, #tpu.memory_space<hbm>> -> memref<512x16xf32, #tpu.memory_space<hbm>>
      tpu.enqueue_dma source(%dma_start3A_111 : memref<512x16xf32, #tpu.memory_space<hbm>>) target(%dma_start3A_109 : memref<512x16xf32, #tpu.memory_space<vmem_shared>>) target_semaphore(%run_scoped3A_107 : memref<!tpu.dma_semaphore, #tpu.memory_space<semaphore_mem>>)
      %dma_wait3A_112 = arith.constant 0 : i32
      %dma_wait3A_113 = tpu.memref_slice %arg11[%mul3A_4, %dma_wait3A_112] : memref<8192x16xf32, #tpu.memory_space<vmem_shared>> -> memref<512x16xf32, #tpu.memory_space<vmem_shared>>
      %dma_wait3A_114 = arith.constant 0 : i32
      %dma_wait3A_115 = tpu.memref_slice %arg4[%mul3A_2, %dma_wait3A_114] : memref<8192x16xf32, #tpu.memory_space<hbm>> -> memref<512x16xf32, #tpu.memory_space<hbm>>
      tpu.wait_dma2 semaphore(%run_scoped3A_107 : memref<!tpu.dma_semaphore, #tpu.memory_space<semaphore_mem>>) src(%dma_wait3A_115 : memref<512x16xf32, #tpu.memory_space<hbm>>) dst(%dma_wait3A_113 : memref<512x16xf32, #tpu.memory_space<vmem_shared>>)
      tpu.yield
    }) : () -> ()
    %dma_start3A = arith.constant 0 : i32
    %dma_start3A_5 = arith.constant 0 : i32
    %dma_start3A_6 = arith.constant 0 : i32
    %dma_start3A_7 = arith.constant 0 : i32
    %dma_start3A_8 = tpu.memref_slice %arg9[%dma_start3A_5, %dma_start3A_6, %dma_start3A_7] : memref<4x128x32xf32, #tpu.memory_space<vmem>> -> memref<1x128x32xf32, #tpu.memory_space<vmem>>
    %dma_start3A_9 = tpu.memref_squeeze %dma_start3A_8 : memref<1x128x32xf32, #tpu.memory_space<vmem>> -> memref<128x32xf32, #tpu.memory_space<vmem>>
    %dma_start3A_10 = arith.constant 0 : i32
    %dma_start3A_11 = tpu.memref_slice %arg8[%dma_start3A, %dma_start3A_10] : memref<4x128xi32, #tpu.memory_space<vmem>> -> memref<1x128xi32, #tpu.memory_space<vmem>>
    %dma_start3A_12 = tpu.memref_squeeze %dma_start3A_11 : memref<1x128xi32, #tpu.memory_space<vmem>> -> memref<128xi32, #tpu.memory_space<vmem>>
    %dma_start3A_13 = arith.constant 0 : i32
    %dma_start3A_14 = arith.constant 0 : i32
    %dma_start3A_15 = tpu.memref_slice %arg3[%dma_start3A_13, %dma_start3A_14] : memref<8192x32xf32, #tpu.memory_space<hbm>> -> memref<8192x32xf32, #tpu.memory_space<hbm>>
    tpu.enqueue_indirect_dma source(%dma_start3A_15 : memref<8192x32xf32, #tpu.memory_space<hbm>>) target(%dma_start3A_9 : memref<128x32xf32, #tpu.memory_space<vmem>>) offsets(%dma_start3A_12 : memref<128xi32, #tpu.memory_space<vmem>>) semaphore(%arg12 : memref<!tpu.dma_semaphore, #tpu.memory_space<semaphore_mem>>)
    %dma_start3A_16 = arith.constant 1 : i32
    %dma_start3A_17 = arith.constant 1 : i32
    %dma_start3A_18 = arith.constant 0 : i32
    %dma_start3A_19 = arith.constant 0 : i32
    %dma_start3A_20 = tpu.memref_slice %arg9[%dma_start3A_17, %dma_start3A_18, %dma_start3A_19] : memref<4x128x32xf32, #tpu.memory_space<vmem>> -> memref<1x128x32xf32, #tpu.memory_space<vmem>>
    %dma_start3A_21 = tpu.memref_squeeze %dma_start3A_20 : memref<1x128x32xf32, #tpu.memory_space<vmem>> -> memref<128x32xf32, #tpu.memory_space<vmem>>
    %dma_start3A_22 = arith.constant 0 : i32
    %dma_start3A_23 = tpu.memref_slice %arg8[%dma_start3A_16, %dma_start3A_22] : memref<4x128xi32, #tpu.memory_space<vmem>> -> memref<1x128xi32, #tpu.memory_space<vmem>>
    %dma_start3A_24 = tpu.memref_squeeze %dma_start3A_23 : memref<1x128xi32, #tpu.memory_space<vmem>> -> memref<128xi32, #tpu.memory_space<vmem>>
    %dma_start3A_25 = arith.constant 0 : i32
    %dma_start3A_26 = arith.constant 0 : i32
    %dma_start3A_27 = tpu.memref_slice %arg3[%dma_start3A_25, %dma_start3A_26] : memref<8192x32xf32, #tpu.memory_space<hbm>> -> memref<8192x32xf32, #tpu.memory_space<hbm>>
    tpu.enqueue_indirect_dma source(%dma_start3A_27 : memref<8192x32xf32, #tpu.memory_space<hbm>>) target(%dma_start3A_21 : memref<128x32xf32, #tpu.memory_space<vmem>>) offsets(%dma_start3A_24 : memref<128xi32, #tpu.memory_space<vmem>>) semaphore(%arg12 : memref<!tpu.dma_semaphore, #tpu.memory_space<semaphore_mem>>)
    %dma_start3A_28 = arith.constant 2 : i32
    %dma_start3A_29 = arith.constant 2 : i32
    %dma_start3A_30 = arith.constant 0 : i32
    %dma_start3A_31 = arith.constant 0 : i32
    %dma_start3A_32 = tpu.memref_slice %arg9[%dma_start3A_29, %dma_start3A_30, %dma_start3A_31] : memref<4x128x32xf32, #tpu.memory_space<vmem>> -> memref<1x128x32xf32, #tpu.memory_space<vmem>>
    %dma_start3A_33 = tpu.memref_squeeze %dma_start3A_32 : memref<1x128x32xf32, #tpu.memory_space<vmem>> -> memref<128x32xf32, #tpu.memory_space<vmem>>
    %dma_start3A_34 = arith.constant 0 : i32
    %dma_start3A_35 = tpu.memref_slice %arg8[%dma_start3A_28, %dma_start3A_34] : memref<4x128xi32, #tpu.memory_space<vmem>> -> memref<1x128xi32, #tpu.memory_space<vmem>>
    %dma_start3A_36 = tpu.memref_squeeze %dma_start3A_35 : memref<1x128xi32, #tpu.memory_space<vmem>> -> memref<128xi32, #tpu.memory_space<vmem>>
    %dma_start3A_37 = arith.constant 0 : i32
    %dma_start3A_38 = arith.constant 0 : i32
    %dma_start3A_39 = tpu.memref_slice %arg3[%dma_start3A_37, %dma_start3A_38] : memref<8192x32xf32, #tpu.memory_space<hbm>> -> memref<8192x32xf32, #tpu.memory_space<hbm>>
    tpu.enqueue_indirect_dma source(%dma_start3A_39 : memref<8192x32xf32, #tpu.memory_space<hbm>>) target(%dma_start3A_33 : memref<128x32xf32, #tpu.memory_space<vmem>>) offsets(%dma_start3A_36 : memref<128xi32, #tpu.memory_space<vmem>>) semaphore(%arg12 : memref<!tpu.dma_semaphore, #tpu.memory_space<semaphore_mem>>)
    %dma_start3A_40 = arith.constant 3 : i32
    %dma_start3A_41 = arith.constant 3 : i32
    %dma_start3A_42 = arith.constant 0 : i32
    %dma_start3A_43 = arith.constant 0 : i32
    %dma_start3A_44 = tpu.memref_slice %arg9[%dma_start3A_41, %dma_start3A_42, %dma_start3A_43] : memref<4x128x32xf32, #tpu.memory_space<vmem>> -> memref<1x128x32xf32, #tpu.memory_space<vmem>>
    %dma_start3A_45 = tpu.memref_squeeze %dma_start3A_44 : memref<1x128x32xf32, #tpu.memory_space<vmem>> -> memref<128x32xf32, #tpu.memory_space<vmem>>
    %dma_start3A_46 = arith.constant 0 : i32
    %dma_start3A_47 = tpu.memref_slice %arg8[%dma_start3A_40, %dma_start3A_46] : memref<4x128xi32, #tpu.memory_space<vmem>> -> memref<1x128xi32, #tpu.memory_space<vmem>>
    %dma_start3A_48 = tpu.memref_squeeze %dma_start3A_47 : memref<1x128xi32, #tpu.memory_space<vmem>> -> memref<128xi32, #tpu.memory_space<vmem>>
    %dma_start3A_49 = arith.constant 0 : i32
    %dma_start3A_50 = arith.constant 0 : i32
    %dma_start3A_51 = tpu.memref_slice %arg3[%dma_start3A_49, %dma_start3A_50] : memref<8192x32xf32, #tpu.memory_space<hbm>> -> memref<8192x32xf32, #tpu.memory_space<hbm>>
    tpu.enqueue_indirect_dma source(%dma_start3A_51 : memref<8192x32xf32, #tpu.memory_space<hbm>>) target(%dma_start3A_45 : memref<128x32xf32, #tpu.memory_space<vmem>>) offsets(%dma_start3A_48 : memref<128xi32, #tpu.memory_space<vmem>>) semaphore(%arg12 : memref<!tpu.dma_semaphore, #tpu.memory_space<semaphore_mem>>)
    %barrier3A = arith.constant 0 : index
    tpu.barrier barrier_id(%barrier3A)
    %run_scoped3A = arith.constant 0 : i32
    "tpu.region"() ({
      %run_scoped3A_107 = tpu.sem_alloc : memref<!tpu.dma_semaphore, #tpu.memory_space<semaphore_mem>>
      %dma_start3A_108 = arith.constant 0 : i32
      %dma_start3A_109 = tpu.memref_slice %arg8[%run_scoped3A, %dma_start3A_108] : memref<4x128xi32, #tpu.memory_space<vmem>> -> memref<1x128xi32, #tpu.memory_space<vmem>>
      %dma_start3A_110 = tpu.memref_squeeze %dma_start3A_109 : memref<1x128xi32, #tpu.memory_space<vmem>> -> memref<128xi32, #tpu.memory_space<vmem>>
      %dma_start3A_111 = arith.constant 0 : i32
      %dma_start3A_112 = arith.constant 0 : i32
      %dma_start3A_113 = tpu.memref_slice %arg11[%dma_start3A_111, %dma_start3A_112] : memref<8192x16xf32, #tpu.memory_space<vmem_shared>> -> memref<8192x16xf32, #tpu.memory_space<vmem_shared>>
      tpu.enqueue_indirect_dma source(%arg10 : memref<128x16xf32, #tpu.memory_space<vmem>>) target(%dma_start3A_113 : memref<8192x16xf32, #tpu.memory_space<vmem_shared>>) offsets(%dma_start3A_110 : memref<128xi32, #tpu.memory_space<vmem>>) semaphore(%run_scoped3A_107 : memref<!tpu.dma_semaphore, #tpu.memory_space<semaphore_mem>>) {add = true}
      %dma_wait3A_114 = arith.constant 0 : i32
      %dma_wait3A_115 = tpu.memref_slice %arg8[%run_scoped3A, %dma_wait3A_114] : memref<4x128xi32, #tpu.memory_space<vmem>> -> memref<1x128xi32, #tpu.memory_space<vmem>>
      %dma_wait3A_116 = tpu.memref_squeeze %dma_wait3A_115 : memref<1x128xi32, #tpu.memory_space<vmem>> -> memref<128xi32, #tpu.memory_space<vmem>>
      %dma_wait3A_117 = arith.constant 0 : i32
      %dma_wait3A_118 = arith.constant 0 : i32
      %dma_wait3A_119 = tpu.memref_slice %arg11[%dma_wait3A_117, %dma_wait3A_118] : memref<8192x16xf32, #tpu.memory_space<vmem_shared>> -> memref<8192x16xf32, #tpu.memory_space<vmem_shared>>
      tpu.wait_indirect_dma semaphore(%run_scoped3A_107 : memref<!tpu.dma_semaphore, #tpu.memory_space<semaphore_mem>>) src(%arg10 : memref<128x16xf32, #tpu.memory_space<vmem>>) dst(%dma_wait3A_119 : memref<8192x16xf32, #tpu.memory_space<vmem_shared>>)
      tpu.yield
    }) : () -> ()
    %run_scoped3A_52 = arith.constant 1 : i32
    "tpu.region"() ({
      %run_scoped3A_107 = tpu.sem_alloc : memref<!tpu.dma_semaphore, #tpu.memory_space<semaphore_mem>>
      %dma_start3A_108 = arith.constant 0 : i32
      %dma_start3A_109 = tpu.memref_slice %arg8[%run_scoped3A_52, %dma_start3A_108] : memref<4x128xi32, #tpu.memory_space<vmem>> -> memref<1x128xi32, #tpu.memory_space<vmem>>
      %dma_start3A_110 = tpu.memref_squeeze %dma_start3A_109 : memref<1x128xi32, #tpu.memory_space<vmem>> -> memref<128xi32, #tpu.memory_space<vmem>>
      %dma_start3A_111 = arith.constant 0 : i32
      %dma_start3A_112 = arith.constant 0 : i32
      %dma_start3A_113 = tpu.memref_slice %arg11[%dma_start3A_111, %dma_start3A_112] : memref<8192x16xf32, #tpu.memory_space<vmem_shared>> -> memref<8192x16xf32, #tpu.memory_space<vmem_shared>>
      tpu.enqueue_indirect_dma source(%arg10 : memref<128x16xf32, #tpu.memory_space<vmem>>) target(%dma_start3A_113 : memref<8192x16xf32, #tpu.memory_space<vmem_shared>>) offsets(%dma_start3A_110 : memref<128xi32, #tpu.memory_space<vmem>>) semaphore(%run_scoped3A_107 : memref<!tpu.dma_semaphore, #tpu.memory_space<semaphore_mem>>) {add = true}
      %dma_wait3A_114 = arith.constant 0 : i32
      %dma_wait3A_115 = tpu.memref_slice %arg8[%run_scoped3A_52, %dma_wait3A_114] : memref<4x128xi32, #tpu.memory_space<vmem>> -> memref<1x128xi32, #tpu.memory_space<vmem>>
      %dma_wait3A_116 = tpu.memref_squeeze %dma_wait3A_115 : memref<1x128xi32, #tpu.memory_space<vmem>> -> memref<128xi32, #tpu.memory_space<vmem>>
      %dma_wait3A_117 = arith.constant 0 : i32
      %dma_wait3A_118 = arith.constant 0 : i32
      %dma_wait3A_119 = tpu.memref_slice %arg11[%dma_wait3A_117, %dma_wait3A_118] : memref<8192x16xf32, #tpu.memory_space<vmem_shared>> -> memref<8192x16xf32, #tpu.memory_space<vmem_shared>>
      tpu.wait_indirect_dma semaphore(%run_scoped3A_107 : memref<!tpu.dma_semaphore, #tpu.memory_space<semaphore_mem>>) src(%arg10 : memref<128x16xf32, #tpu.memory_space<vmem>>) dst(%dma_wait3A_119 : memref<8192x16xf32, #tpu.memory_space<vmem_shared>>)
      tpu.yield
    }) : () -> ()
    %run_scoped3A_53 = arith.constant 2 : i32
    "tpu.region"() ({
      %run_scoped3A_107 = tpu.sem_alloc : memref<!tpu.dma_semaphore, #tpu.memory_space<semaphore_mem>>
      %dma_start3A_108 = arith.constant 0 : i32
      %dma_start3A_109 = tpu.memref_slice %arg8[%run_scoped3A_53, %dma_start3A_108] : memref<4x128xi32, #tpu.memory_space<vmem>> -> memref<1x128xi32, #tpu.memory_space<vmem>>
      %dma_start3A_110 = tpu.memref_squeeze %dma_start3A_109 : memref<1x128xi32, #tpu.memory_space<vmem>> -> memref<128xi32, #tpu.memory_space<vmem>>
      %dma_start3A_111 = arith.constant 0 : i32
      %dma_start3A_112 = arith.constant 0 : i32
      %dma_start3A_113 = tpu.memref_slice %arg11[%dma_start3A_111, %dma_start3A_112] : memref<8192x16xf32, #tpu.memory_space<vmem_shared>> -> memref<8192x16xf32, #tpu.memory_space<vmem_shared>>
      tpu.enqueue_indirect_dma source(%arg10 : memref<128x16xf32, #tpu.memory_space<vmem>>) target(%dma_start3A_113 : memref<8192x16xf32, #tpu.memory_space<vmem_shared>>) offsets(%dma_start3A_110 : memref<128xi32, #tpu.memory_space<vmem>>) semaphore(%run_scoped3A_107 : memref<!tpu.dma_semaphore, #tpu.memory_space<semaphore_mem>>) {add = true}
      %dma_wait3A_114 = arith.constant 0 : i32
      %dma_wait3A_115 = tpu.memref_slice %arg8[%run_scoped3A_53, %dma_wait3A_114] : memref<4x128xi32, #tpu.memory_space<vmem>> -> memref<1x128xi32, #tpu.memory_space<vmem>>
      %dma_wait3A_116 = tpu.memref_squeeze %dma_wait3A_115 : memref<1x128xi32, #tpu.memory_space<vmem>> -> memref<128xi32, #tpu.memory_space<vmem>>
      %dma_wait3A_117 = arith.constant 0 : i32
      %dma_wait3A_118 = arith.constant 0 : i32
      %dma_wait3A_119 = tpu.memref_slice %arg11[%dma_wait3A_117, %dma_wait3A_118] : memref<8192x16xf32, #tpu.memory_space<vmem_shared>> -> memref<8192x16xf32, #tpu.memory_space<vmem_shared>>
      tpu.wait_indirect_dma semaphore(%run_scoped3A_107 : memref<!tpu.dma_semaphore, #tpu.memory_space<semaphore_mem>>) src(%arg10 : memref<128x16xf32, #tpu.memory_space<vmem>>) dst(%dma_wait3A_119 : memref<8192x16xf32, #tpu.memory_space<vmem_shared>>)
      tpu.yield
    }) : () -> ()
    %run_scoped3A_54 = arith.constant 3 : i32
    "tpu.region"() ({
      %run_scoped3A_107 = tpu.sem_alloc : memref<!tpu.dma_semaphore, #tpu.memory_space<semaphore_mem>>
      %dma_start3A_108 = arith.constant 0 : i32
      %dma_start3A_109 = tpu.memref_slice %arg8[%run_scoped3A_54, %dma_start3A_108] : memref<4x128xi32, #tpu.memory_space<vmem>> -> memref<1x128xi32, #tpu.memory_space<vmem>>
      %dma_start3A_110 = tpu.memref_squeeze %dma_start3A_109 : memref<1x128xi32, #tpu.memory_space<vmem>> -> memref<128xi32, #tpu.memory_space<vmem>>
      %dma_start3A_111 = arith.constant 0 : i32
      %dma_start3A_112 = arith.constant 0 : i32
      %dma_start3A_113 = tpu.memref_slice %arg11[%dma_start3A_111, %dma_start3A_112] : memref<8192x16xf32, #tpu.memory_space<vmem_shared>> -> memref<8192x16xf32, #tpu.memory_space<vmem_shared>>
      tpu.enqueue_indirect_dma source(%arg10 : memref<128x16xf32, #tpu.memory_space<vmem>>) target(%dma_start3A_113 : memref<8192x16xf32, #tpu.memory_space<vmem_shared>>) offsets(%dma_start3A_110 : memref<128xi32, #tpu.memory_space<vmem>>) semaphore(%run_scoped3A_107 : memref<!tpu.dma_semaphore, #tpu.memory_space<semaphore_mem>>) {add = true}
      %dma_wait3A_114 = arith.constant 0 : i32
      %dma_wait3A_115 = tpu.memref_slice %arg8[%run_scoped3A_54, %dma_wait3A_114] : memref<4x128xi32, #tpu.memory_space<vmem>> -> memref<1x128xi32, #tpu.memory_space<vmem>>
      %dma_wait3A_116 = tpu.memref_squeeze %dma_wait3A_115 : memref<1x128xi32, #tpu.memory_space<vmem>> -> memref<128xi32, #tpu.memory_space<vmem>>
      %dma_wait3A_117 = arith.constant 0 : i32
      %dma_wait3A_118 = arith.constant 0 : i32
      %dma_wait3A_119 = tpu.memref_slice %arg11[%dma_wait3A_117, %dma_wait3A_118] : memref<8192x16xf32, #tpu.memory_space<vmem_shared>> -> memref<8192x16xf32, #tpu.memory_space<vmem_shared>>
      tpu.wait_indirect_dma semaphore(%run_scoped3A_107 : memref<!tpu.dma_semaphore, #tpu.memory_space<semaphore_mem>>) src(%arg10 : memref<128x16xf32, #tpu.memory_space<vmem>>) dst(%dma_wait3A_119 : memref<8192x16xf32, #tpu.memory_space<vmem_shared>>)
      tpu.yield
    }) : () -> ()
    %dma_wait3A = arith.constant 0 : i32
    %dma_wait3A_55 = arith.constant 0 : i32
    %dma_wait3A_56 = arith.constant 0 : i32
    %dma_wait3A_57 = arith.constant 0 : i32
    %dma_wait3A_58 = tpu.memref_slice %arg9[%dma_wait3A_55, %dma_wait3A_56, %dma_wait3A_57] : memref<4x128x32xf32, #tpu.memory_space<vmem>> -> memref<1x128x32xf32, #tpu.memory_space<vmem>>
    %dma_wait3A_59 = tpu.memref_squeeze %dma_wait3A_58 : memref<1x128x32xf32, #tpu.memory_space<vmem>> -> memref<128x32xf32, #tpu.memory_space<vmem>>
    %dma_wait3A_60 = arith.constant 0 : i32
    %dma_wait3A_61 = tpu.memref_slice %arg8[%dma_wait3A, %dma_wait3A_60] : memref<4x128xi32, #tpu.memory_space<vmem>> -> memref<1x128xi32, #tpu.memory_space<vmem>>
    %dma_wait3A_62 = tpu.memref_squeeze %dma_wait3A_61 : memref<1x128xi32, #tpu.memory_space<vmem>> -> memref<128xi32, #tpu.memory_space<vmem>>
    %dma_wait3A_63 = arith.constant 0 : i32
    %dma_wait3A_64 = arith.constant 0 : i32
    %dma_wait3A_65 = tpu.memref_slice %arg3[%dma_wait3A_63, %dma_wait3A_64] : memref<8192x32xf32, #tpu.memory_space<hbm>> -> memref<8192x32xf32, #tpu.memory_space<hbm>>
    tpu.wait_indirect_dma semaphore(%arg12 : memref<!tpu.dma_semaphore, #tpu.memory_space<semaphore_mem>>) src(%dma_wait3A_65 : memref<8192x32xf32, #tpu.memory_space<hbm>>) dst(%dma_wait3A_59 : memref<128x32xf32, #tpu.memory_space<vmem>>)
    %dma_wait3A_66 = arith.constant 1 : i32
    %dma_wait3A_67 = arith.constant 1 : i32
    %dma_wait3A_68 = arith.constant 0 : i32
    %dma_wait3A_69 = arith.constant 0 : i32
    %dma_wait3A_70 = tpu.memref_slice %arg9[%dma_wait3A_67, %dma_wait3A_68, %dma_wait3A_69] : memref<4x128x32xf32, #tpu.memory_space<vmem>> -> memref<1x128x32xf32, #tpu.memory_space<vmem>>
    %dma_wait3A_71 = tpu.memref_squeeze %dma_wait3A_70 : memref<1x128x32xf32, #tpu.memory_space<vmem>> -> memref<128x32xf32, #tpu.memory_space<vmem>>
    %dma_wait3A_72 = arith.constant 0 : i32
    %dma_wait3A_73 = tpu.memref_slice %arg8[%dma_wait3A_66, %dma_wait3A_72] : memref<4x128xi32, #tpu.memory_space<vmem>> -> memref<1x128xi32, #tpu.memory_space<vmem>>
    %dma_wait3A_74 = tpu.memref_squeeze %dma_wait3A_73 : memref<1x128xi32, #tpu.memory_space<vmem>> -> memref<128xi32, #tpu.memory_space<vmem>>
    %dma_wait3A_75 = arith.constant 0 : i32
    %dma_wait3A_76 = arith.constant 0 : i32
    %dma_wait3A_77 = tpu.memref_slice %arg3[%dma_wait3A_75, %dma_wait3A_76] : memref<8192x32xf32, #tpu.memory_space<hbm>> -> memref<8192x32xf32, #tpu.memory_space<hbm>>
    tpu.wait_indirect_dma semaphore(%arg12 : memref<!tpu.dma_semaphore, #tpu.memory_space<semaphore_mem>>) src(%dma_wait3A_77 : memref<8192x32xf32, #tpu.memory_space<hbm>>) dst(%dma_wait3A_71 : memref<128x32xf32, #tpu.memory_space<vmem>>)
    %dma_wait3A_78 = arith.constant 2 : i32
    %dma_wait3A_79 = arith.constant 2 : i32
    %dma_wait3A_80 = arith.constant 0 : i32
    %dma_wait3A_81 = arith.constant 0 : i32
    %dma_wait3A_82 = tpu.memref_slice %arg9[%dma_wait3A_79, %dma_wait3A_80, %dma_wait3A_81] : memref<4x128x32xf32, #tpu.memory_space<vmem>> -> memref<1x128x32xf32, #tpu.memory_space<vmem>>
    %dma_wait3A_83 = tpu.memref_squeeze %dma_wait3A_82 : memref<1x128x32xf32, #tpu.memory_space<vmem>> -> memref<128x32xf32, #tpu.memory_space<vmem>>
    %dma_wait3A_84 = arith.constant 0 : i32
    %dma_wait3A_85 = tpu.memref_slice %arg8[%dma_wait3A_78, %dma_wait3A_84] : memref<4x128xi32, #tpu.memory_space<vmem>> -> memref<1x128xi32, #tpu.memory_space<vmem>>
    %dma_wait3A_86 = tpu.memref_squeeze %dma_wait3A_85 : memref<1x128xi32, #tpu.memory_space<vmem>> -> memref<128xi32, #tpu.memory_space<vmem>>
    %dma_wait3A_87 = arith.constant 0 : i32
    %dma_wait3A_88 = arith.constant 0 : i32
    %dma_wait3A_89 = tpu.memref_slice %arg3[%dma_wait3A_87, %dma_wait3A_88] : memref<8192x32xf32, #tpu.memory_space<hbm>> -> memref<8192x32xf32, #tpu.memory_space<hbm>>
    tpu.wait_indirect_dma semaphore(%arg12 : memref<!tpu.dma_semaphore, #tpu.memory_space<semaphore_mem>>) src(%dma_wait3A_89 : memref<8192x32xf32, #tpu.memory_space<hbm>>) dst(%dma_wait3A_83 : memref<128x32xf32, #tpu.memory_space<vmem>>)
    %dma_wait3A_90 = arith.constant 3 : i32
    %dma_wait3A_91 = arith.constant 3 : i32
    %dma_wait3A_92 = arith.constant 0 : i32
    %dma_wait3A_93 = arith.constant 0 : i32
    %dma_wait3A_94 = tpu.memref_slice %arg9[%dma_wait3A_91, %dma_wait3A_92, %dma_wait3A_93] : memref<4x128x32xf32, #tpu.memory_space<vmem>> -> memref<1x128x32xf32, #tpu.memory_space<vmem>>
    %dma_wait3A_95 = tpu.memref_squeeze %dma_wait3A_94 : memref<1x128x32xf32, #tpu.memory_space<vmem>> -> memref<128x32xf32, #tpu.memory_space<vmem>>
    %dma_wait3A_96 = arith.constant 0 : i32
    %dma_wait3A_97 = tpu.memref_slice %arg8[%dma_wait3A_90, %dma_wait3A_96] : memref<4x128xi32, #tpu.memory_space<vmem>> -> memref<1x128xi32, #tpu.memory_space<vmem>>
    %dma_wait3A_98 = tpu.memref_squeeze %dma_wait3A_97 : memref<1x128xi32, #tpu.memory_space<vmem>> -> memref<128xi32, #tpu.memory_space<vmem>>
    %dma_wait3A_99 = arith.constant 0 : i32
    %dma_wait3A_100 = arith.constant 0 : i32
    %dma_wait3A_101 = tpu.memref_slice %arg3[%dma_wait3A_99, %dma_wait3A_100] : memref<8192x32xf32, #tpu.memory_space<hbm>> -> memref<8192x32xf32, #tpu.memory_space<hbm>>
    tpu.wait_indirect_dma semaphore(%arg12 : memref<!tpu.dma_semaphore, #tpu.memory_space<semaphore_mem>>) src(%dma_wait3A_101 : memref<8192x32xf32, #tpu.memory_space<hbm>>) dst(%dma_wait3A_95 : memref<128x32xf32, #tpu.memory_space<vmem>>)
    "tpu.region"() ({
      %run_scoped3A_107 = tpu.sem_alloc : memref<!tpu.dma_semaphore, #tpu.memory_space<semaphore_mem>>
      %dma_start3A_108 = arith.constant 0 : i32
      %dma_start3A_109 = arith.constant 0 : i32
      %dma_start3A_110 = arith.constant 0 : i32
      %dma_start3A_111 = tpu.memref_slice %arg6[%add3A, %dma_start3A_108, %dma_start3A_109, %dma_start3A_110] : memref<32x4x128x32xf32, #tpu.memory_space<hbm>> -> memref<1x4x128x32xf32, #tpu.memory_space<hbm>>
      %dma_start3A_112 = tpu.memref_squeeze %dma_start3A_111 : memref<1x4x128x32xf32, #tpu.memory_space<hbm>> -> memref<4x128x32xf32, #tpu.memory_space<hbm>>
      %dma_start3A_113 = arith.constant 0 : i32
      %dma_start3A_114 = arith.constant 0 : i32
      %dma_start3A_115 = arith.constant 0 : i32
      %dma_start3A_116 = tpu.memref_slice %arg6[%add3A, %dma_start3A_113, %dma_start3A_114, %dma_start3A_115] : memref<32x4x128x32xf32, #tpu.memory_space<hbm>> -> memref<1x4x128x32xf32, #tpu.memory_space<hbm>>
      %dma_start3A_117 = tpu.memref_squeeze %dma_start3A_116 : memref<1x4x128x32xf32, #tpu.memory_space<hbm>> -> memref<4x128x32xf32, #tpu.memory_space<hbm>>
      tpu.enqueue_dma source(%arg9 : memref<4x128x32xf32, #tpu.memory_space<vmem>>) target(%dma_start3A_117 : memref<4x128x32xf32, #tpu.memory_space<hbm>>) target_semaphore(%run_scoped3A_107 : memref<!tpu.dma_semaphore, #tpu.memory_space<semaphore_mem>>)
      %dma_wait3A_118 = arith.constant 0 : i32
      %dma_wait3A_119 = arith.constant 0 : i32
      %dma_wait3A_120 = arith.constant 0 : i32
      %dma_wait3A_121 = tpu.memref_slice %arg6[%add3A, %dma_wait3A_118, %dma_wait3A_119, %dma_wait3A_120] : memref<32x4x128x32xf32, #tpu.memory_space<hbm>> -> memref<1x4x128x32xf32, #tpu.memory_space<hbm>>
      %dma_wait3A_122 = tpu.memref_squeeze %dma_wait3A_121 : memref<1x4x128x32xf32, #tpu.memory_space<hbm>> -> memref<4x128x32xf32, #tpu.memory_space<hbm>>
      %dma_wait3A_123 = arith.constant 0 : i32
      %dma_wait3A_124 = arith.constant 0 : i32
      %dma_wait3A_125 = arith.constant 0 : i32
      %dma_wait3A_126 = tpu.memref_slice %arg6[%add3A, %dma_wait3A_123, %dma_wait3A_124, %dma_wait3A_125] : memref<32x4x128x32xf32, #tpu.memory_space<hbm>> -> memref<1x4x128x32xf32, #tpu.memory_space<hbm>>
      %dma_wait3A_127 = tpu.memref_squeeze %dma_wait3A_126 : memref<1x4x128x32xf32, #tpu.memory_space<hbm>> -> memref<4x128x32xf32, #tpu.memory_space<hbm>>
      tpu.wait_dma2 semaphore(%run_scoped3A_107 : memref<!tpu.dma_semaphore, #tpu.memory_space<semaphore_mem>>) src(%arg9 : memref<4x128x32xf32, #tpu.memory_space<vmem>>) dst(%dma_wait3A_127 : memref<4x128x32xf32, #tpu.memory_space<hbm>>)
      tpu.yield
    }) : () -> ()
    %barrier3A_102 = arith.constant 0 : index
    tpu.barrier barrier_id(%barrier3A_102)
    %mul3A_103 = arith.constant 512 : i32
    %mul3A_104 = arith.muli %arg1, %mul3A_103 : i32
    %mul3A_105 = arith.constant 512 : i32
    %mul3A_106 = arith.muli %arg1, %mul3A_105 : i32
    "tpu.region"() ({
      %run_scoped3A_107 = tpu.sem_alloc : memref<!tpu.dma_semaphore, #tpu.memory_space<semaphore_mem>>
      %dma_start3A_108 = arith.constant 0 : i32
      %dma_start3A_109 = tpu.memref_slice %arg7[%arg0, %mul3A_106, %dma_start3A_108] : memref<2x8192x16xf32, #tpu.memory_space<hbm>> -> memref<1x512x16xf32, #tpu.memory_space<hbm>>
      %dma_start3A_110 = tpu.memref_squeeze %dma_start3A_109 : memref<1x512x16xf32, #tpu.memory_space<hbm>> -> memref<512x16xf32, #tpu.memory_space<hbm>>
      %dma_start3A_111 = arith.constant 0 : i32
      %dma_start3A_112 = tpu.memref_slice %arg11[%mul3A_104, %dma_start3A_111] : memref<8192x16xf32, #tpu.memory_space<vmem_shared>> -> memref<512x16xf32, #tpu.memory_space<vmem_shared>>
      tpu.enqueue_dma source(%dma_start3A_112 : memref<512x16xf32, #tpu.memory_space<vmem_shared>>) target(%dma_start3A_110 : memref<512x16xf32, #tpu.memory_space<hbm>>) target_semaphore(%run_scoped3A_107 : memref<!tpu.dma_semaphore, #tpu.memory_space<semaphore_mem>>)
      %dma_wait3A_113 = arith.constant 0 : i32
      %dma_wait3A_114 = tpu.memref_slice %arg7[%arg0, %mul3A_106, %dma_wait3A_113] : memref<2x8192x16xf32, #tpu.memory_space<hbm>> -> memref<1x512x16xf32, #tpu.memory_space<hbm>>
      %dma_wait3A_115 = tpu.memref_squeeze %dma_wait3A_114 : memref<1x512x16xf32, #tpu.memory_space<hbm>> -> memref<512x16xf32, #tpu.memory_space<hbm>>
      %dma_wait3A_116 = arith.constant 0 : i32
      %dma_wait3A_117 = tpu.memref_slice %arg11[%mul3A_104, %dma_wait3A_116] : memref<8192x16xf32, #tpu.memory_space<vmem_shared>> -> memref<512x16xf32, #tpu.memory_space<vmem_shared>>
      tpu.wait_dma2 semaphore(%run_scoped3A_107 : memref<!tpu.dma_semaphore, #tpu.memory_space<semaphore_mem>>) src(%dma_wait3A_117 : memref<512x16xf32, #tpu.memory_space<vmem_shared>>) dst(%dma_wait3A_115 : memref<512x16xf32, #tpu.memory_space<hbm>>)
      tpu.yield
    }) : () -> ()
    return
  }
}

module attributes {stable_mosaic.version = 14 : i64} {
  func.func @_enc_vq_body(%arg0: i32, %arg1: memref<256x128xf32, #tpu.memory_space<vmem>>, %arg2: memref<128x256xf32, #tpu.memory_space<vmem>>, %arg3: memref<1x256xf32, #tpu.memory_space<vmem>>, %arg4: memref<256x256xf32, #tpu.memory_space<vmem>>, %arg5: memref<1x256xf32, #tpu.memory_space<vmem>>, %arg6: memref<256x32xf32, #tpu.memory_space<vmem>>, %arg7: memref<1x32xf32, #tpu.memory_space<vmem>>, %arg8: memref<32x8192xf32, #tpu.memory_space<vmem>>, %arg9: memref<256x32xf32, #tpu.memory_space<vmem>>, %arg10: memref<256x1xi32, #tpu.memory_space<vmem>>, %arg11: memref<1x8192xf32, #tpu.memory_space<vmem>>) attributes {dimension_semantics = [#tpu.dimension_semantics<arbitrary>], iteration_bounds = array<i64: 64>, scalar_prefetch = 0 : i64, scratch_operands = 1 : i64, tpu.core_type = #tpu.core_type<tc>, window_params = [{transform_indices = @transform_0, window_bounds = array<i64: 256, 128>}, {pipeline_mode = #tpu.pipeline_mode<synchronous>, transform_indices = @transform_1, window_bounds = array<i64: 128, 256>}, {pipeline_mode = #tpu.pipeline_mode<synchronous>, transform_indices = @transform_2, window_bounds = array<i64: 1, 256>}, {pipeline_mode = #tpu.pipeline_mode<synchronous>, transform_indices = @transform_3, window_bounds = array<i64: 256, 256>}, {pipeline_mode = #tpu.pipeline_mode<synchronous>, transform_indices = @transform_4, window_bounds = array<i64: 1, 256>}, {pipeline_mode = #tpu.pipeline_mode<synchronous>, transform_indices = @transform_5, window_bounds = array<i64: 256, 32>}, {pipeline_mode = #tpu.pipeline_mode<synchronous>, transform_indices = @transform_6, window_bounds = array<i64: 1, 32>}, {pipeline_mode = #tpu.pipeline_mode<synchronous>, transform_indices = @transform_7, window_bounds = array<i64: 32, 8192>}, {transform_indices = @transform_8, window_bounds = array<i64: 256, 32>}, {transform_indices = @transform_9, window_bounds = array<i64: 256, 1>}]} {
    %eq3A = arith.constant 0 : i32
    %eq3A_0 = arith.cmpi eq, %arg0, %eq3A : i32
    %convert_element_type3A = arith.extui %eq3A_0 : i1 to i32
    %cond3A = arith.constant 0 : i32
    %cond3A_1 = arith.cmpi ne, %convert_element_type3A, %cond3A : i32
    scf.if %cond3A_1 {
      %get3A_186 = arith.constant 0 : index
      %get3A_187 = arith.constant 0 : index
      %get3A_188 = vector.load %arg8[%get3A_186, %get3A_187] : memref<32x8192xf32, #tpu.memory_space<vmem>>, vector<32x8192xf32>
      %mul3A_189 = arith.mulf %get3A_188, %get3A_188 : vector<32x8192xf32>
      %reduce_sum3A_190 = arith.constant dense<0.000000e+00> : vector<8192xf32>
      %reduce_sum3A_191 = vector.multi_reduction <add>, %mul3A_189, %reduce_sum3A_190 [0] : vector<32x8192xf32> to vector<8192xf32>
      %broadcast_in_dim3A_192 = vector.shape_cast %reduce_sum3A_191 : vector<8192xf32> to vector<1x8192xf32>
      %swap3A_193 = arith.constant 0 : index
      %swap3A_194 = arith.constant 0 : index
      %swap3A_195 = vector.load %arg11[%swap3A_193, %swap3A_194] : memref<1x8192xf32, #tpu.memory_space<vmem>>, vector<1x8192xf32>
      tpu.vector_store %arg11[%swap3A_193, %swap3A_194], %broadcast_in_dim3A_192 {strides = array<i32>} : memref<1x8192xf32, #tpu.memory_space<vmem>>, vector<1x8192xf32>,
    } else {
    }
    %get3A = arith.constant 0 : index
    %get3A_2 = arith.constant 0 : index
    %get3A_3 = vector.load %arg1[%get3A, %get3A_2] : memref<256x128xf32, #tpu.memory_space<vmem>>, vector<256x128xf32>
    %get3A_4 = arith.constant 0 : index
    %get3A_5 = arith.constant 0 : index
    %get3A_6 = vector.load %arg2[%get3A_4, %get3A_5] : memref<128x256xf32, #tpu.memory_space<vmem>>, vector<128x256xf32>
    %convert_element_type3A_7 = arith.truncf %get3A_3 : vector<256x128xf32> to vector<256x128xbf16>
    %convert_element_type3A_8 = arith.truncf %get3A_6 : vector<128x256xf32> to vector<128x256xbf16>
    %dot_general3A = arith.constant dense<0.000000e+00> : vector<256x256xf32>
    %dot_general3A_9 = tpu.matmul %convert_element_type3A_7, %convert_element_type3A_8, %dot_general3A {dimension_numbers = #tpu.dot_dimension_numbers<[1], [0], [0], [1], [0, 0, 1, 1], [], []>, transpose_lhs_hint = false} : vector<256x128xbf16>, vector<128x256xbf16>, vector<256x256xf32> -> vector<256x256xf32>
    %get3A_10 = arith.constant 0 : index
    %get3A_11 = arith.constant 0 : index
    %get3A_12 = vector.load %arg3[%get3A_10, %get3A_11] : memref<1x256xf32, #tpu.memory_space<vmem>>, vector<1x256xf32>
    %add3A = vector.broadcast %get3A_12 : vector<1x256xf32> to vector<256x256xf32>
    %add3A_13 = arith.addf %dot_general3A_9, %add3A : vector<256x256xf32>
    %max3A = arith.constant 0.000000e+00 : f32
    %max3A_14 = vector.broadcast %max3A : f32 to vector<256x256xf32>
    %max3A_15 = arith.maximumf %add3A_13, %max3A_14 : vector<256x256xf32>
    %get3A_16 = arith.constant 0 : index
    %get3A_17 = arith.constant 0 : index
    %get3A_18 = vector.load %arg4[%get3A_16, %get3A_17] : memref<256x256xf32, #tpu.memory_space<vmem>>, vector<256x256xf32>
    %convert_element_type3A_19 = arith.truncf %max3A_15 : vector<256x256xf32> to vector<256x256xbf16>
    %convert_element_type3A_20 = arith.truncf %get3A_18 : vector<256x256xf32> to vector<256x256xbf16>
    %dot_general3A_21 = arith.constant dense<0.000000e+00> : vector<256x256xf32>
    %dot_general3A_22 = tpu.matmul %convert_element_type3A_19, %convert_element_type3A_20, %dot_general3A_21 {dimension_numbers = #tpu.dot_dimension_numbers<[1], [0], [0], [1], [0, 0, 1, 1], [], []>, transpose_lhs_hint = false} : vector<256x256xbf16>, vector<256x256xbf16>, vector<256x256xf32> -> vector<256x256xf32>
    %get3A_23 = arith.constant 0 : index
    %get3A_24 = arith.constant 0 : index
    %get3A_25 = vector.load %arg5[%get3A_23, %get3A_24] : memref<1x256xf32, #tpu.memory_space<vmem>>, vector<1x256xf32>
    %add3A_26 = vector.broadcast %get3A_25 : vector<1x256xf32> to vector<256x256xf32>
    %add3A_27 = arith.addf %dot_general3A_22, %add3A_26 : vector<256x256xf32>
    %max3A_28 = arith.constant 0.000000e+00 : f32
    %max3A_29 = vector.broadcast %max3A_28 : f32 to vector<256x256xf32>
    %max3A_30 = arith.maximumf %add3A_27, %max3A_29 : vector<256x256xf32>
    %get3A_31 = arith.constant 0 : index
    %get3A_32 = arith.constant 0 : index
    %get3A_33 = vector.load %arg6[%get3A_31, %get3A_32] : memref<256x32xf32, #tpu.memory_space<vmem>>, vector<256x32xf32>
    %convert_element_type3A_34 = arith.truncf %max3A_30 : vector<256x256xf32> to vector<256x256xbf16>
    %convert_element_type3A_35 = arith.truncf %get3A_33 : vector<256x32xf32> to vector<256x32xbf16>
    %dot_general3A_36 = arith.constant dense<0.000000e+00> : vector<256x32xf32>
    %dot_general3A_37 = tpu.matmul %convert_element_type3A_34, %convert_element_type3A_35, %dot_general3A_36 {dimension_numbers = #tpu.dot_dimension_numbers<[1], [0], [0], [1], [0, 0, 1, 1], [], []>, transpose_lhs_hint = false} : vector<256x256xbf16>, vector<256x32xbf16>, vector<256x32xf32> -> vector<256x32xf32>
    %get3A_38 = arith.constant 0 : index
    %get3A_39 = arith.constant 0 : index
    %get3A_40 = vector.load %arg7[%get3A_38, %get3A_39] : memref<1x32xf32, #tpu.memory_space<vmem>>, vector<1x32xf32>
    %add3A_41 = vector.broadcast %get3A_40 : vector<1x32xf32> to vector<256x32xf32>
    %add3A_42 = arith.addf %dot_general3A_37, %add3A_41 : vector<256x32xf32>
    %swap3A = arith.constant 0 : index
    %swap3A_43 = arith.constant 0 : index
    %swap3A_44 = vector.load %arg9[%swap3A, %swap3A_43] : memref<256x32xf32, #tpu.memory_space<vmem>>, vector<256x32xf32>
    tpu.vector_store %arg9[%swap3A, %swap3A_43], %add3A_42 {strides = array<i32>} : memref<256x32xf32, #tpu.memory_space<vmem>>, vector<256x32xf32>,
    %mul3A = arith.mulf %add3A_42, %add3A_42 : vector<256x32xf32>
    %reduce_sum3A = arith.constant dense<0.000000e+00> : vector<256xf32>
    %reduce_sum3A_45 = vector.multi_reduction <add>, %mul3A, %reduce_sum3A [1] : vector<256x32xf32> to vector<256xf32>
    %broadcast_in_dim3A = vector.shape_cast %reduce_sum3A_45 : vector<256xf32> to vector<256x1xf32>
    %broadcast_in_dim3A_46 = arith.constant 0x7F800000 : f32
    %broadcast_in_dim3A_47 = vector.broadcast %broadcast_in_dim3A_46 : f32 to vector<256x1xf32>
    %broadcast_in_dim3A_48 = arith.constant 0 : i32
    %broadcast_in_dim3A_49 = vector.broadcast %broadcast_in_dim3A_48 : i32 to vector<256x1xi32>
    %get3A_50 = arith.constant 0 : index
    %get3A_51 = arith.constant 0 : index
    %get3A_52 = vector.load %arg8[%get3A_50, %get3A_51] : memref<32x8192xf32, #tpu.memory_space<vmem>>, vector<32x2048xf32>
    %convert_element_type3A_53 = arith.truncf %add3A_42 : vector<256x32xf32> to vector<256x32xbf16>
    %convert_element_type3A_54 = arith.truncf %get3A_52 : vector<32x2048xf32> to vector<32x2048xbf16>
    %dot_general3A_55 = arith.constant dense<0.000000e+00> : vector<256x2048xf32>
    %dot_general3A_56 = tpu.matmul %convert_element_type3A_53, %convert_element_type3A_54, %dot_general3A_55 {dimension_numbers = #tpu.dot_dimension_numbers<[1], [0], [0], [1], [0, 0, 1, 1], [], []>, transpose_lhs_hint = false} : vector<256x32xbf16>, vector<32x2048xbf16>, vector<256x2048xf32> -> vector<256x2048xf32>
    %mul3A_57 = arith.constant 2.000000e+00 : f32
    %mul3A_58 = vector.broadcast %mul3A_57 : f32 to vector<256x2048xf32>
    %mul3A_59 = arith.mulf %mul3A_58, %dot_general3A_56 : vector<256x2048xf32>
    %sub3A = vector.broadcast %broadcast_in_dim3A : vector<256x1xf32> to vector<256x2048xf32>
    %sub3A_60 = arith.subf %sub3A, %mul3A_59 : vector<256x2048xf32>
    %get3A_61 = arith.constant 0 : index
    %get3A_62 = arith.constant 0 : index
    %get3A_63 = vector.load %arg11[%get3A_61, %get3A_62] : memref<1x8192xf32, #tpu.memory_space<vmem>>, vector<1x2048xf32>
    %add3A_64 = vector.broadcast %get3A_63 : vector<1x2048xf32> to vector<256x2048xf32>
    %add3A_65 = arith.addf %sub3A_60, %add3A_64 : vector<256x2048xf32>
    %reduce_min3A = arith.constant dense<0x7F800000> : vector<256xf32>
    %reduce_min3A_66 = vector.multi_reduction <minimumf>, %add3A_65, %reduce_min3A [1] : vector<256x2048xf32> to vector<256xf32>
    %broadcast_in_dim3A_67 = vector.shape_cast %reduce_min3A_66 : vector<256xf32> to vector<256x1xf32>
    %iota3A = tpu.iota {dimensions = array<i32: 1>} : vector<256x2048xi32>
    %add3A_68 = arith.constant 0 : i32
    %add3A_69 = vector.broadcast %add3A_68 : i32 to vector<256x2048xi32>
    %add3A_70 = arith.addi %iota3A, %add3A_69 : vector<256x2048xi32>
    %eq3A_71 = vector.broadcast %broadcast_in_dim3A_67 : vector<256x1xf32> to vector<256x2048xf32>
    %eq3A_72 = arith.cmpf oeq, %add3A_65, %eq3A_71 : vector<256x2048xf32>
    %jit3A = arith.constant 8192 : i32
    %broadcast_in_dim3A_73 = vector.broadcast %jit3A : i32 to vector<256x2048xi32>
    %select_n3A = arith.select %eq3A_72, %add3A_70, %broadcast_in_dim3A_73 : vector<256x2048xi1>, vector<256x2048xi32>
    %reduce_min3A_74 = arith.constant dense<2147483647> : vector<256xi32>
    %reduce_min3A_75 = vector.multi_reduction <minsi>, %select_n3A, %reduce_min3A_74 [1] : vector<256x2048xi32> to vector<256xi32>
    %broadcast_in_dim3A_76 = vector.shape_cast %reduce_min3A_75 : vector<256xi32> to vector<256x1xi32>
    %lt3A = arith.cmpf olt, %broadcast_in_dim3A_67, %broadcast_in_dim3A_47 : vector<256x1xf32>
    %select_n3A_77 = arith.select %lt3A, %broadcast_in_dim3A_67, %broadcast_in_dim3A_47 : vector<256x1xi1>, vector<256x1xf32>
    %select_n3A_78 = arith.select %lt3A, %broadcast_in_dim3A_76, %broadcast_in_dim3A_49 : vector<256x1xi1>, vector<256x1xi32>
    %get3A_79 = arith.constant 0 : index
    %get3A_80 = arith.constant 2048 : index
    %get3A_81 = vector.load %arg8[%get3A_79, %get3A_80] : memref<32x8192xf32, #tpu.memory_space<vmem>>, vector<32x2048xf32>
    %convert_element_type3A_82 = arith.truncf %add3A_42 : vector<256x32xf32> to vector<256x32xbf16>
    %convert_element_type3A_83 = arith.truncf %get3A_81 : vector<32x2048xf32> to vector<32x2048xbf16>
    %dot_general3A_84 = arith.constant dense<0.000000e+00> : vector<256x2048xf32>
    %dot_general3A_85 = tpu.matmul %convert_element_type3A_82, %convert_element_type3A_83, %dot_general3A_84 {dimension_numbers = #tpu.dot_dimension_numbers<[1], [0], [0], [1], [0, 0, 1, 1], [], []>, transpose_lhs_hint = false} : vector<256x32xbf16>, vector<32x2048xbf16>, vector<256x2048xf32> -> vector<256x2048xf32>
    %mul3A_86 = arith.constant 2.000000e+00 : f32
    %mul3A_87 = vector.broadcast %mul3A_86 : f32 to vector<256x2048xf32>
    %mul3A_88 = arith.mulf %mul3A_87, %dot_general3A_85 : vector<256x2048xf32>
    %sub3A_89 = vector.broadcast %broadcast_in_dim3A : vector<256x1xf32> to vector<256x2048xf32>
    %sub3A_90 = arith.subf %sub3A_89, %mul3A_88 : vector<256x2048xf32>
    %get3A_91 = arith.constant 0 : index
    %get3A_92 = arith.constant 2048 : index
    %get3A_93 = vector.load %arg11[%get3A_91, %get3A_92] : memref<1x8192xf32, #tpu.memory_space<vmem>>, vector<1x2048xf32>
    %add3A_94 = vector.broadcast %get3A_93 : vector<1x2048xf32> to vector<256x2048xf32>
    %add3A_95 = arith.addf %sub3A_90, %add3A_94 : vector<256x2048xf32>
    %reduce_min3A_96 = arith.constant dense<0x7F800000> : vector<256xf32>
    %reduce_min3A_97 = vector.multi_reduction <minimumf>, %add3A_95, %reduce_min3A_96 [1] : vector<256x2048xf32> to vector<256xf32>
    %broadcast_in_dim3A_98 = vector.shape_cast %reduce_min3A_97 : vector<256xf32> to vector<256x1xf32>
    %iota3A_99 = tpu.iota {dimensions = array<i32: 1>} : vector<256x2048xi32>
    %add3A_100 = arith.constant 2048 : i32
    %add3A_101 = vector.broadcast %add3A_100 : i32 to vector<256x2048xi32>
    %add3A_102 = arith.addi %iota3A_99, %add3A_101 : vector<256x2048xi32>
    %eq3A_103 = vector.broadcast %broadcast_in_dim3A_98 : vector<256x1xf32> to vector<256x2048xf32>
    %eq3A_104 = arith.cmpf oeq, %add3A_95, %eq3A_103 : vector<256x2048xf32>
    %jit3A_105 = arith.constant 8192 : i32
    %broadcast_in_dim3A_106 = vector.broadcast %jit3A_105 : i32 to vector<256x2048xi32>
    %select_n3A_107 = arith.select %eq3A_104, %add3A_102, %broadcast_in_dim3A_106 : vector<256x2048xi1>, vector<256x2048xi32>
    %reduce_min3A_108 = arith.constant dense<2147483647> : vector<256xi32>
    %reduce_min3A_109 = vector.multi_reduction <minsi>, %select_n3A_107, %reduce_min3A_108 [1] : vector<256x2048xi32> to vector<256xi32>
    %broadcast_in_dim3A_110 = vector.shape_cast %reduce_min3A_109 : vector<256xi32> to vector<256x1xi32>
    %lt3A_111 = arith.cmpf olt, %broadcast_in_dim3A_98, %select_n3A_77 : vector<256x1xf32>
    %select_n3A_112 = arith.select %lt3A_111, %broadcast_in_dim3A_98, %select_n3A_77 : vector<256x1xi1>, vector<256x1xf32>
    %select_n3A_113 = arith.select %lt3A_111, %broadcast_in_dim3A_110, %select_n3A_78 : vector<256x1xi1>, vector<256x1xi32>
    %get3A_114 = arith.constant 0 : index
    %get3A_115 = arith.constant 4096 : index
    %get3A_116 = vector.load %arg8[%get3A_114, %get3A_115] : memref<32x8192xf32, #tpu.memory_space<vmem>>, vector<32x2048xf32>
    %convert_element_type3A_117 = arith.truncf %add3A_42 : vector<256x32xf32> to vector<256x32xbf16>
    %convert_element_type3A_118 = arith.truncf %get3A_116 : vector<32x2048xf32> to vector<32x2048xbf16>
    %dot_general3A_119 = arith.constant dense<0.000000e+00> : vector<256x2048xf32>
    %dot_general3A_120 = tpu.matmul %convert_element_type3A_117, %convert_element_type3A_118, %dot_general3A_119 {dimension_numbers = #tpu.dot_dimension_numbers<[1], [0], [0], [1], [0, 0, 1, 1], [], []>, transpose_lhs_hint = false} : vector<256x32xbf16>, vector<32x2048xbf16>, vector<256x2048xf32> -> vector<256x2048xf32>
    %mul3A_121 = arith.constant 2.000000e+00 : f32
    %mul3A_122 = vector.broadcast %mul3A_121 : f32 to vector<256x2048xf32>
    %mul3A_123 = arith.mulf %mul3A_122, %dot_general3A_120 : vector<256x2048xf32>
    %sub3A_124 = vector.broadcast %broadcast_in_dim3A : vector<256x1xf32> to vector<256x2048xf32>
    %sub3A_125 = arith.subf %sub3A_124, %mul3A_123 : vector<256x2048xf32>
    %get3A_126 = arith.constant 0 : index
    %get3A_127 = arith.constant 4096 : index
    %get3A_128 = vector.load %arg11[%get3A_126, %get3A_127] : memref<1x8192xf32, #tpu.memory_space<vmem>>, vector<1x2048xf32>
    %add3A_129 = vector.broadcast %get3A_128 : vector<1x2048xf32> to vector<256x2048xf32>
    %add3A_130 = arith.addf %sub3A_125, %add3A_129 : vector<256x2048xf32>
    %reduce_min3A_131 = arith.constant dense<0x7F800000> : vector<256xf32>
    %reduce_min3A_132 = vector.multi_reduction <minimumf>, %add3A_130, %reduce_min3A_131 [1] : vector<256x2048xf32> to vector<256xf32>
    %broadcast_in_dim3A_133 = vector.shape_cast %reduce_min3A_132 : vector<256xf32> to vector<256x1xf32>
    %iota3A_134 = tpu.iota {dimensions = array<i32: 1>} : vector<256x2048xi32>
    %add3A_135 = arith.constant 4096 : i32
    %add3A_136 = vector.broadcast %add3A_135 : i32 to vector<256x2048xi32>
    %add3A_137 = arith.addi %iota3A_134, %add3A_136 : vector<256x2048xi32>
    %eq3A_138 = vector.broadcast %broadcast_in_dim3A_133 : vector<256x1xf32> to vector<256x2048xf32>
    %eq3A_139 = arith.cmpf oeq, %add3A_130, %eq3A_138 : vector<256x2048xf32>
    %jit3A_140 = arith.constant 8192 : i32
    %broadcast_in_dim3A_141 = vector.broadcast %jit3A_140 : i32 to vector<256x2048xi32>
    %select_n3A_142 = arith.select %eq3A_139, %add3A_137, %broadcast_in_dim3A_141 : vector<256x2048xi1>, vector<256x2048xi32>
    %reduce_min3A_143 = arith.constant dense<2147483647> : vector<256xi32>
    %reduce_min3A_144 = vector.multi_reduction <minsi>, %select_n3A_142, %reduce_min3A_143 [1] : vector<256x2048xi32> to vector<256xi32>
    %broadcast_in_dim3A_145 = vector.shape_cast %reduce_min3A_144 : vector<256xi32> to vector<256x1xi32>
    %lt3A_146 = arith.cmpf olt, %broadcast_in_dim3A_133, %select_n3A_112 : vector<256x1xf32>
    %select_n3A_147 = arith.select %lt3A_146, %broadcast_in_dim3A_133, %select_n3A_112 : vector<256x1xi1>, vector<256x1xf32>
    %select_n3A_148 = arith.select %lt3A_146, %broadcast_in_dim3A_145, %select_n3A_113 : vector<256x1xi1>, vector<256x1xi32>
    %get3A_149 = arith.constant 0 : index
    %get3A_150 = arith.constant 6144 : index
    %get3A_151 = vector.load %arg8[%get3A_149, %get3A_150] : memref<32x8192xf32, #tpu.memory_space<vmem>>, vector<32x2048xf32>
    %convert_element_type3A_152 = arith.truncf %add3A_42 : vector<256x32xf32> to vector<256x32xbf16>
    %convert_element_type3A_153 = arith.truncf %get3A_151 : vector<32x2048xf32> to vector<32x2048xbf16>
    %dot_general3A_154 = arith.constant dense<0.000000e+00> : vector<256x2048xf32>
    %dot_general3A_155 = tpu.matmul %convert_element_type3A_152, %convert_element_type3A_153, %dot_general3A_154 {dimension_numbers = #tpu.dot_dimension_numbers<[1], [0], [0], [1], [0, 0, 1, 1], [], []>, transpose_lhs_hint = false} : vector<256x32xbf16>, vector<32x2048xbf16>, vector<256x2048xf32> -> vector<256x2048xf32>
    %mul3A_156 = arith.constant 2.000000e+00 : f32
    %mul3A_157 = vector.broadcast %mul3A_156 : f32 to vector<256x2048xf32>
    %mul3A_158 = arith.mulf %mul3A_157, %dot_general3A_155 : vector<256x2048xf32>
    %sub3A_159 = vector.broadcast %broadcast_in_dim3A : vector<256x1xf32> to vector<256x2048xf32>
    %sub3A_160 = arith.subf %sub3A_159, %mul3A_158 : vector<256x2048xf32>
    %get3A_161 = arith.constant 0 : index
    %get3A_162 = arith.constant 6144 : index
    %get3A_163 = vector.load %arg11[%get3A_161, %get3A_162] : memref<1x8192xf32, #tpu.memory_space<vmem>>, vector<1x2048xf32>
    %add3A_164 = vector.broadcast %get3A_163 : vector<1x2048xf32> to vector<256x2048xf32>
    %add3A_165 = arith.addf %sub3A_160, %add3A_164 : vector<256x2048xf32>
    %reduce_min3A_166 = arith.constant dense<0x7F800000> : vector<256xf32>
    %reduce_min3A_167 = vector.multi_reduction <minimumf>, %add3A_165, %reduce_min3A_166 [1] : vector<256x2048xf32> to vector<256xf32>
    %broadcast_in_dim3A_168 = vector.shape_cast %reduce_min3A_167 : vector<256xf32> to vector<256x1xf32>
    %iota3A_169 = tpu.iota {dimensions = array<i32: 1>} : vector<256x2048xi32>
    %add3A_170 = arith.constant 6144 : i32
    %add3A_171 = vector.broadcast %add3A_170 : i32 to vector<256x2048xi32>
    %add3A_172 = arith.addi %iota3A_169, %add3A_171 : vector<256x2048xi32>
    %eq3A_173 = vector.broadcast %broadcast_in_dim3A_168 : vector<256x1xf32> to vector<256x2048xf32>
    %eq3A_174 = arith.cmpf oeq, %add3A_165, %eq3A_173 : vector<256x2048xf32>
    %jit3A_175 = arith.constant 8192 : i32
    %broadcast_in_dim3A_176 = vector.broadcast %jit3A_175 : i32 to vector<256x2048xi32>
    %select_n3A_177 = arith.select %eq3A_174, %add3A_172, %broadcast_in_dim3A_176 : vector<256x2048xi1>, vector<256x2048xi32>
    %reduce_min3A_178 = arith.constant dense<2147483647> : vector<256xi32>
    %reduce_min3A_179 = vector.multi_reduction <minsi>, %select_n3A_177, %reduce_min3A_178 [1] : vector<256x2048xi32> to vector<256xi32>
    %broadcast_in_dim3A_180 = vector.shape_cast %reduce_min3A_179 : vector<256xi32> to vector<256x1xi32>
    %lt3A_181 = arith.cmpf olt, %broadcast_in_dim3A_168, %select_n3A_147 : vector<256x1xf32>
    %select_n3A_182 = arith.select %lt3A_181, %broadcast_in_dim3A_180, %select_n3A_148 : vector<256x1xi1>, vector<256x1xi32>
    %swap3A_183 = arith.constant 0 : index
    %swap3A_184 = arith.constant 0 : index
    %swap3A_185 = vector.load %arg10[%swap3A_183, %swap3A_184] : memref<256x1xi32, #tpu.memory_space<vmem>>, vector<256x1xi32>
    tpu.vector_store %arg10[%swap3A_183, %swap3A_184], %select_n3A_182 {strides = array<i32>} : memref<256x1xi32, #tpu.memory_space<vmem>>, vector<256x1xi32>,
    return
  }
  func.func @transform_0(%arg0: i32) -> (i32, i32) {
    %c0_i32 = arith.constant 0 : i32
    %c0_i32_0 = arith.constant 0 : i32
    return %arg0, %c0_i32 : i32, i32
  }
  func.func @transform_1(%arg0: i32) -> (i32, i32) {
    %c0_i32 = arith.constant 0 : i32
    %c0_i32_0 = arith.constant 0 : i32
    %c0_i32_1 = arith.constant 0 : i32
    return %c0_i32, %c0_i32_0 : i32, i32
  }
  func.func @transform_2(%arg0: i32) -> (i32, i32) {
    %c0_i32 = arith.constant 0 : i32
    %c0_i32_0 = arith.constant 0 : i32
    %c0_i32_1 = arith.constant 0 : i32
    return %c0_i32, %c0_i32_0 : i32, i32
  }
  func.func @transform_3(%arg0: i32) -> (i32, i32) {
    %c0_i32 = arith.constant 0 : i32
    %c0_i32_0 = arith.constant 0 : i32
    %c0_i32_1 = arith.constant 0 : i32
    return %c0_i32, %c0_i32_0 : i32, i32
  }
  func.func @transform_4(%arg0: i32) -> (i32, i32) {
    %c0_i32 = arith.constant 0 : i32
    %c0_i32_0 = arith.constant 0 : i32
    %c0_i32_1 = arith.constant 0 : i32
    return %c0_i32, %c0_i32_0 : i32, i32
  }
  func.func @transform_5(%arg0: i32) -> (i32, i32) {
    %c0_i32 = arith.constant 0 : i32
    %c0_i32_0 = arith.constant 0 : i32
    %c0_i32_1 = arith.constant 0 : i32
    return %c0_i32, %c0_i32_0 : i32, i32
  }
  func.func @transform_6(%arg0: i32) -> (i32, i32) {
    %c0_i32 = arith.constant 0 : i32
    %c0_i32_0 = arith.constant 0 : i32
    %c0_i32_1 = arith.constant 0 : i32
    return %c0_i32, %c0_i32_0 : i32, i32
  }
  func.func @transform_7(%arg0: i32) -> (i32, i32) {
    %c0_i32 = arith.constant 0 : i32
    %c0_i32_0 = arith.constant 0 : i32
    %c0_i32_1 = arith.constant 0 : i32
    return %c0_i32, %c0_i32_0 : i32, i32
  }
  func.func @transform_8(%arg0: i32) -> (i32, i32) {
    %c0_i32 = arith.constant 0 : i32
    %c0_i32_0 = arith.constant 0 : i32
    return %arg0, %c0_i32 : i32, i32
  }
  func.func @transform_9(%arg0: i32) -> (i32, i32) {
    %c0_i32 = arith.constant 0 : i32
    %c0_i32_0 = arith.constant 0 : i32
    return %arg0, %c0_i32 : i32, i32
  }
}

module attributes {stable_mosaic.version = 14 : i64} {
  func.func @_dec_body(%arg0: i32, %arg1: memref<512x32xf32, #tpu.memory_space<vmem>>, %arg2: memref<512x32xf32, #tpu.memory_space<vmem>>, %arg3: memref<32x256xf32, #tpu.memory_space<vmem>>, %arg4: memref<1x256xf32, #tpu.memory_space<vmem>>, %arg5: memref<256x256xf32, #tpu.memory_space<vmem>>, %arg6: memref<1x256xf32, #tpu.memory_space<vmem>>, %arg7: memref<256x128xf32, #tpu.memory_space<vmem>>, %arg8: memref<1x128xf32, #tpu.memory_space<vmem>>, %arg9: memref<2x8192x16xf32, #tpu.memory_space<vmem>>, %arg10: memref<512x128xf32, #tpu.memory_space<vmem>>, %arg11: memref<512x32xf32, #tpu.memory_space<vmem>>, %arg12: memref<1x1xf32, #tpu.memory_space<vmem>>, %arg13: memref<1x1xf32, #tpu.memory_space<vmem>>) attributes {dimension_semantics = [#tpu.dimension_semantics<arbitrary>], iteration_bounds = array<i64: 32>, scalar_prefetch = 0 : i64, scratch_operands = 0 : i64, tpu.core_type = #tpu.core_type<tc>, window_params = [{transform_indices = @transform_0, window_bounds = array<i64: 512, 32>}, {transform_indices = @transform_1, window_bounds = array<i64: 512, 32>}, {pipeline_mode = #tpu.pipeline_mode<synchronous>, transform_indices = @transform_2, window_bounds = array<i64: 32, 256>}, {pipeline_mode = #tpu.pipeline_mode<synchronous>, transform_indices = @transform_3, window_bounds = array<i64: 1, 256>}, {pipeline_mode = #tpu.pipeline_mode<synchronous>, transform_indices = @transform_4, window_bounds = array<i64: 256, 256>}, {pipeline_mode = #tpu.pipeline_mode<synchronous>, transform_indices = @transform_5, window_bounds = array<i64: 1, 256>}, {pipeline_mode = #tpu.pipeline_mode<synchronous>, transform_indices = @transform_6, window_bounds = array<i64: 256, 128>}, {pipeline_mode = #tpu.pipeline_mode<synchronous>, transform_indices = @transform_7, window_bounds = array<i64: 1, 128>}, {pipeline_mode = #tpu.pipeline_mode<synchronous>, transform_indices = @transform_8, window_bounds = array<i64: 2, 8192, 16>}, {transform_indices = @transform_9, window_bounds = array<i64: 512, 128>}, {transform_indices = @transform_10, window_bounds = array<i64: 512, 32>}, {pipeline_mode = #tpu.pipeline_mode<synchronous>, transform_indices = @transform_11, window_bounds = array<i64: 1, 1>}, {pipeline_mode = #tpu.pipeline_mode<synchronous>, transform_indices = @transform_12, window_bounds = array<i64: 1, 1>}]} {
    %get3A = arith.constant 0 : index
    %get3A_0 = arith.constant 0 : index
    %get3A_1 = vector.load %arg1[%get3A, %get3A_0] : memref<512x32xf32, #tpu.memory_space<vmem>>, vector<512x32xf32>
    %get3A_2 = arith.constant 0 : index
    %get3A_3 = arith.constant 0 : index
    %get3A_4 = vector.load %arg2[%get3A_2, %get3A_3] : memref<512x32xf32, #tpu.memory_space<vmem>>, vector<512x32xf32>
    %sub3A = arith.subf %get3A_1, %get3A_4 : vector<512x32xf32>
    %add3A = arith.addf %get3A_4, %sub3A : vector<512x32xf32>
    %swap3A = arith.constant 0 : index
    %swap3A_5 = arith.constant 0 : index
    %swap3A_6 = vector.load %arg11[%swap3A, %swap3A_5] : memref<512x32xf32, #tpu.memory_space<vmem>>, vector<512x32xf32>
    tpu.vector_store %arg11[%swap3A, %swap3A_5], %add3A {strides = array<i32>} : memref<512x32xf32, #tpu.memory_space<vmem>>, vector<512x32xf32>,
    %get3A_7 = arith.constant 0 : index
    %get3A_8 = arith.constant 0 : index
    %get3A_9 = vector.load %arg3[%get3A_7, %get3A_8] : memref<32x256xf32, #tpu.memory_space<vmem>>, vector<32x256xf32>
    %convert_element_type3A = arith.truncf %add3A : vector<512x32xf32> to vector<512x32xbf16>
    %convert_element_type3A_10 = arith.truncf %get3A_9 : vector<32x256xf32> to vector<32x256xbf16>
    %dot_general3A = arith.constant dense<0.000000e+00> : vector<512x256xf32>
    %dot_general3A_11 = tpu.matmul %convert_element_type3A, %convert_element_type3A_10, %dot_general3A {dimension_numbers = #tpu.dot_dimension_numbers<[1], [0], [0], [1], [0, 0, 1, 1], [], []>, transpose_lhs_hint = false} : vector<512x32xbf16>, vector<32x256xbf16>, vector<512x256xf32> -> vector<512x256xf32>
    %get3A_12 = arith.constant 0 : index
    %get3A_13 = arith.constant 0 : index
    %get3A_14 = vector.load %arg4[%get3A_12, %get3A_13] : memref<1x256xf32, #tpu.memory_space<vmem>>, vector<1x256xf32>
    %add3A_15 = vector.broadcast %get3A_14 : vector<1x256xf32> to vector<512x256xf32>
    %add3A_16 = arith.addf %dot_general3A_11, %add3A_15 : vector<512x256xf32>
    %max3A = arith.constant 0.000000e+00 : f32
    %max3A_17 = vector.broadcast %max3A : f32 to vector<512x256xf32>
    %max3A_18 = arith.maximumf %add3A_16, %max3A_17 : vector<512x256xf32>
    %get3A_19 = arith.constant 0 : index
    %get3A_20 = arith.constant 0 : index
    %get3A_21 = vector.load %arg5[%get3A_19, %get3A_20] : memref<256x256xf32, #tpu.memory_space<vmem>>, vector<256x256xf32>
    %convert_element_type3A_22 = arith.truncf %max3A_18 : vector<512x256xf32> to vector<512x256xbf16>
    %convert_element_type3A_23 = arith.truncf %get3A_21 : vector<256x256xf32> to vector<256x256xbf16>
    %dot_general3A_24 = arith.constant dense<0.000000e+00> : vector<512x256xf32>
    %dot_general3A_25 = tpu.matmul %convert_element_type3A_22, %convert_element_type3A_23, %dot_general3A_24 {dimension_numbers = #tpu.dot_dimension_numbers<[1], [0], [0], [1], [0, 0, 1, 1], [], []>, transpose_lhs_hint = false} : vector<512x256xbf16>, vector<256x256xbf16>, vector<512x256xf32> -> vector<512x256xf32>
    %get3A_26 = arith.constant 0 : index
    %get3A_27 = arith.constant 0 : index
    %get3A_28 = vector.load %arg6[%get3A_26, %get3A_27] : memref<1x256xf32, #tpu.memory_space<vmem>>, vector<1x256xf32>
    %add3A_29 = vector.broadcast %get3A_28 : vector<1x256xf32> to vector<512x256xf32>
    %add3A_30 = arith.addf %dot_general3A_25, %add3A_29 : vector<512x256xf32>
    %max3A_31 = arith.constant 0.000000e+00 : f32
    %max3A_32 = vector.broadcast %max3A_31 : f32 to vector<512x256xf32>
    %max3A_33 = arith.maximumf %add3A_30, %max3A_32 : vector<512x256xf32>
    %get3A_34 = arith.constant 0 : index
    %get3A_35 = arith.constant 0 : index
    %get3A_36 = vector.load %arg7[%get3A_34, %get3A_35] : memref<256x128xf32, #tpu.memory_space<vmem>>, vector<256x128xf32>
    %convert_element_type3A_37 = arith.truncf %max3A_33 : vector<512x256xf32> to vector<512x256xbf16>
    %convert_element_type3A_38 = arith.truncf %get3A_36 : vector<256x128xf32> to vector<256x128xbf16>
    %dot_general3A_39 = arith.constant dense<0.000000e+00> : vector<512x128xf32>
    %dot_general3A_40 = tpu.matmul %convert_element_type3A_37, %convert_element_type3A_38, %dot_general3A_39 {dimension_numbers = #tpu.dot_dimension_numbers<[1], [0], [0], [1], [0, 0, 1, 1], [], []>, transpose_lhs_hint = false} : vector<512x256xbf16>, vector<256x128xbf16>, vector<512x128xf32> -> vector<512x128xf32>
    %get3A_41 = arith.constant 0 : index
    %get3A_42 = arith.constant 0 : index
    %get3A_43 = vector.load %arg8[%get3A_41, %get3A_42] : memref<1x128xf32, #tpu.memory_space<vmem>>, vector<1x128xf32>
    %add3A_44 = vector.broadcast %get3A_43 : vector<1x128xf32> to vector<512x128xf32>
    %add3A_45 = arith.addf %dot_general3A_40, %add3A_44 : vector<512x128xf32>
    %swap3A_46 = arith.constant 0 : index
    %swap3A_47 = arith.constant 0 : index
    %swap3A_48 = vector.load %arg10[%swap3A_46, %swap3A_47] : memref<512x128xf32, #tpu.memory_space<vmem>>, vector<512x128xf32>
    tpu.vector_store %arg10[%swap3A_46, %swap3A_47], %add3A_45 {strides = array<i32>} : memref<512x128xf32, #tpu.memory_space<vmem>>, vector<512x128xf32>,
    %sub3A_49 = arith.subf %get3A_1, %get3A_4 : vector<512x32xf32>
    %mul3A = arith.mulf %sub3A_49, %sub3A_49 : vector<512x32xf32>
    %reduce_sum3A = vector.shape_cast %mul3A : vector<512x32xf32> to vector<1x512x32xf32>
    %reduce_sum3A_50 = arith.constant dense<0.000000e+00> : vector<1xf32>
    %reduce_sum3A_51 = vector.multi_reduction <add>, %reduce_sum3A, %reduce_sum3A_50 [1, 2] : vector<1x512x32xf32> to vector<1xf32>
    %reduce_sum3A_52 = vector.shape_cast %reduce_sum3A_51 : vector<1xf32> to vector<1x1x1xf32>
    %reduce_sum3A_53 = vector.extract %reduce_sum3A_52[0, 0, 0] : f32 from vector<1x1x1xf32>
    %eq3A = arith.constant 0 : i32
    %eq3A_54 = arith.cmpi eq, %arg0, %eq3A : i32
    %convert_element_type3A_55 = arith.extui %eq3A_54 : i1 to i32
    %cond3A = arith.constant 0 : i32
    %cond3A_56 = arith.cmpi ne, %convert_element_type3A_55, %cond3A : i32
    scf.if %cond3A_56 {
      %reshape3A = vector.broadcast %reduce_sum3A_53 : f32 to vector<1x1xf32>
      %swap3A_66 = arith.constant 0 : index
      %swap3A_67 = arith.constant 0 : index
      %swap3A_68 = vector.load %arg12[%swap3A_66, %swap3A_67] : memref<1x1xf32, #tpu.memory_space<vmem>>, vector<1x1xf32>
      tpu.vector_store %arg12[%swap3A_66, %swap3A_67], %reshape3A {strides = array<i32>} : memref<1x1xf32, #tpu.memory_space<vmem>>, vector<1x1xf32>,
      %get3A_69 = arith.constant 0 : index
      %get3A_70 = arith.constant 0 : index
      %get3A_71 = arith.constant 0 : index
      %get3A_72 = vector.load %arg9[%get3A_69, %get3A_70, %get3A_71] : memref<2x8192x16xf32, #tpu.memory_space<vmem>>, vector<1x8192x16xf32>
      %get3A_73 = vector.shape_cast %get3A_72 : vector<1x8192x16xf32> to vector<8192x16xf32>
      %get3A_74 = arith.constant 1 : index
      %get3A_75 = arith.constant 0 : index
      %get3A_76 = arith.constant 0 : index
      %get3A_77 = vector.load %arg9[%get3A_74, %get3A_75, %get3A_76] : memref<2x8192x16xf32, #tpu.memory_space<vmem>>, vector<1x8192x16xf32>
      %get3A_78 = vector.shape_cast %get3A_77 : vector<1x8192x16xf32> to vector<8192x16xf32>
      %add3A_79 = arith.addf %get3A_73, %get3A_78 : vector<8192x16xf32>
      %reduce_sum3A_80 = arith.constant dense<0.000000e+00> : vector<8192xf32>
      %reduce_sum3A_81 = vector.multi_reduction <add>, %add3A_79, %reduce_sum3A_80 [1] : vector<8192x16xf32> to vector<8192xf32>
      %broadcast_in_dim3A = vector.shape_cast %reduce_sum3A_81 : vector<8192xf32> to vector<8192x1xf32>
      %mul3A_82 = arith.constant 6.250000e-02 : f32
      %mul3A_83 = vector.broadcast %mul3A_82 : f32 to vector<8192x1xf32>
      %mul3A_84 = arith.mulf %broadcast_in_dim3A, %mul3A_83 : vector<8192x1xf32>
      %reduce_sum3A_85 = vector.shape_cast %mul3A_84 : vector<8192x1xf32> to vector<1x8192x1xf32>
      %reduce_sum3A_86 = arith.constant dense<0.000000e+00> : vector<1xf32>
      %reduce_sum3A_87 = vector.multi_reduction <add>, %reduce_sum3A_85, %reduce_sum3A_86 [1, 2] : vector<1x8192x1xf32> to vector<1xf32>
      %reduce_sum3A_88 = vector.shape_cast %reduce_sum3A_87 : vector<1xf32> to vector<1x1x1xf32>
      %reduce_sum3A_89 = vector.extract %reduce_sum3A_88[0, 0, 0] : f32 from vector<1x1x1xf32>
      %div3A = vector.broadcast %reduce_sum3A_89 : f32 to vector<8192x1xf32>
      %div3A_90 = arith.divf %mul3A_84, %div3A : vector<8192x1xf32>
      %add3A_91 = arith.constant 1.000000e-10 : f32
      %add3A_92 = vector.broadcast %add3A_91 : f32 to vector<8192x1xf32>
      %add3A_93 = arith.addf %div3A_90, %add3A_92 : vector<8192x1xf32>
      %log3A = math.log %add3A_93 : vector<8192x1xf32>
      %mul3A_94 = arith.mulf %div3A_90, %log3A : vector<8192x1xf32>
      %reduce_sum3A_95 = vector.shape_cast %mul3A_94 : vector<8192x1xf32> to vector<1x8192x1xf32>
      %reduce_sum3A_96 = arith.constant dense<0.000000e+00> : vector<1xf32>
      %reduce_sum3A_97 = vector.multi_reduction <add>, %reduce_sum3A_95, %reduce_sum3A_96 [1, 2] : vector<1x8192x1xf32> to vector<1xf32>
      %reduce_sum3A_98 = vector.shape_cast %reduce_sum3A_97 : vector<1xf32> to vector<1x1x1xf32>
      %reduce_sum3A_99 = vector.extract %reduce_sum3A_98[0, 0, 0] : f32 from vector<1x1x1xf32>
      %neg3A = arith.constant 0.000000e+00 : f32
      %neg3A_100 = arith.subf %neg3A, %reduce_sum3A_99 : f32
      %exp3A = math.exp %neg3A_100 : f32
      %reshape3A_101 = vector.broadcast %exp3A : f32 to vector<1x1xf32>
      %swap3A_102 = arith.constant 0 : index
      %swap3A_103 = arith.constant 0 : index
      %swap3A_104 = vector.load %arg13[%swap3A_102, %swap3A_103] : memref<1x1xf32, #tpu.memory_space<vmem>>, vector<1x1xf32>
      tpu.vector_store %arg13[%swap3A_102, %swap3A_103], %reshape3A_101 {strides = array<i32>} : memref<1x1xf32, #tpu.memory_space<vmem>>, vector<1x1xf32>,
    } else {
    }
    %gt3A = arith.constant 0 : i32
    %gt3A_57 = arith.cmpi sgt, %arg0, %gt3A : i32
    %convert_element_type3A_58 = arith.extui %gt3A_57 : i1 to i32
    %cond3A_59 = arith.constant 0 : i32
    %cond3A_60 = arith.cmpi ne, %convert_element_type3A_58, %cond3A_59 : i32
    scf.if %cond3A_60 {
      %get3A_66 = arith.constant 0 : index
      %get3A_67 = arith.constant 0 : index
      %get3A_68 = vector.load %arg12[%get3A_66, %get3A_67] : memref<1x1xf32, #tpu.memory_space<vmem>>, vector<1x1xf32>
      %reshape3A = vector.broadcast %reduce_sum3A_53 : f32 to vector<1x1xf32>
      %add3A_69 = arith.addf %get3A_68, %reshape3A : vector<1x1xf32>
      %swap3A_70 = arith.constant 0 : index
      %swap3A_71 = arith.constant 0 : index
      %swap3A_72 = vector.load %arg12[%swap3A_70, %swap3A_71] : memref<1x1xf32, #tpu.memory_space<vmem>>, vector<1x1xf32>
      tpu.vector_store %arg12[%swap3A_70, %swap3A_71], %add3A_69 {strides = array<i32>} : memref<1x1xf32, #tpu.memory_space<vmem>>, vector<1x1xf32>,
    } else {
    }
    %eq3A_61 = arith.constant 31 : i32
    %eq3A_62 = arith.cmpi eq, %arg0, %eq3A_61 : i32
    %convert_element_type3A_63 = arith.extui %eq3A_62 : i1 to i32
    %cond3A_64 = arith.constant 0 : i32
    %cond3A_65 = arith.cmpi ne, %convert_element_type3A_63, %cond3A_64 : i32
    scf.if %cond3A_65 {
      %get3A_66 = arith.constant 0 : index
      %get3A_67 = arith.constant 0 : index
      %get3A_68 = vector.load %arg12[%get3A_66, %get3A_67] : memref<1x1xf32, #tpu.memory_space<vmem>>, vector<1x1xf32>
      %mul3A_69 = arith.constant 2.38418579E-6 : f32
      %mul3A_70 = vector.broadcast %mul3A_69 : f32 to vector<1x1xf32>
      %mul3A_71 = arith.mulf %get3A_68, %mul3A_70 : vector<1x1xf32>
      %swap3A_72 = arith.constant 0 : index
      %swap3A_73 = arith.constant 0 : index
      %swap3A_74 = vector.load %arg12[%swap3A_72, %swap3A_73] : memref<1x1xf32, #tpu.memory_space<vmem>>, vector<1x1xf32>
      tpu.vector_store %arg12[%swap3A_72, %swap3A_73], %mul3A_71 {strides = array<i32>} : memref<1x1xf32, #tpu.memory_space<vmem>>, vector<1x1xf32>,
    } else {
    }
    return
  }
  func.func @transform_0(%arg0: i32) -> (i32, i32) {
    %c0_i32 = arith.constant 0 : i32
    %c0_i32_0 = arith.constant 0 : i32
    return %arg0, %c0_i32 : i32, i32
  }
  func.func @transform_1(%arg0: i32) -> (i32, i32) {
    %c0_i32 = arith.constant 0 : i32
    %c0_i32_0 = arith.constant 0 : i32
    return %arg0, %c0_i32 : i32, i32
  }
  func.func @transform_2(%arg0: i32) -> (i32, i32) {
    %c0_i32 = arith.constant 0 : i32
    %c0_i32_0 = arith.constant 0 : i32
    %c0_i32_1 = arith.constant 0 : i32
    return %c0_i32, %c0_i32_0 : i32, i32
  }
  func.func @transform_3(%arg0: i32) -> (i32, i32) {
    %c0_i32 = arith.constant 0 : i32
    %c0_i32_0 = arith.constant 0 : i32
    %c0_i32_1 = arith.constant 0 : i32
    return %c0_i32, %c0_i32_0 : i32, i32
  }
  func.func @transform_4(%arg0: i32) -> (i32, i32) {
    %c0_i32 = arith.constant 0 : i32
    %c0_i32_0 = arith.constant 0 : i32
    %c0_i32_1 = arith.constant 0 : i32
    return %c0_i32, %c0_i32_0 : i32, i32
  }
  func.func @transform_5(%arg0: i32) -> (i32, i32) {
    %c0_i32 = arith.constant 0 : i32
    %c0_i32_0 = arith.constant 0 : i32
    %c0_i32_1 = arith.constant 0 : i32
    return %c0_i32, %c0_i32_0 : i32, i32
  }
  func.func @transform_6(%arg0: i32) -> (i32, i32) {
    %c0_i32 = arith.constant 0 : i32
    %c0_i32_0 = arith.constant 0 : i32
    %c0_i32_1 = arith.constant 0 : i32
    return %c0_i32, %c0_i32_0 : i32, i32
  }
  func.func @transform_7(%arg0: i32) -> (i32, i32) {
    %c0_i32 = arith.constant 0 : i32
    %c0_i32_0 = arith.constant 0 : i32
    %c0_i32_1 = arith.constant 0 : i32
    return %c0_i32, %c0_i32_0 : i32, i32
  }
  func.func @transform_8(%arg0: i32) -> (i32, i32, i32) {
    %c0_i32 = arith.constant 0 : i32
    %c0_i32_0 = arith.constant 0 : i32
    %c0_i32_1 = arith.constant 0 : i32
    %c0_i32_2 = arith.constant 0 : i32
    return %c0_i32, %c0_i32_0, %c0_i32_1 : i32, i32, i32
  }
  func.func @transform_9(%arg0: i32) -> (i32, i32) {
    %c0_i32 = arith.constant 0 : i32
    %c0_i32_0 = arith.constant 0 : i32
    return %arg0, %c0_i32 : i32, i32
  }
  func.func @transform_10(%arg0: i32) -> (i32, i32) {
    %c0_i32 = arith.constant 0 : i32
    %c0_i32_0 = arith.constant 0 : i32
    return %arg0, %c0_i32 : i32, i32
  }
  func.func @transform_11(%arg0: i32) -> (i32, i32) {
    %c0_i32 = arith.constant 0 : i32
    %c0_i32_0 = arith.constant 0 : i32
    %c0_i32_1 = arith.constant 0 : i32
    return %c0_i32, %c0_i32_0 : i32, i32
  }
  func.func @transform_12(%arg0: i32) -> (i32, i32) {
    %c0_i32 = arith.constant 0 : i32
    %c0_i32_0 = arith.constant 0 : i32
    %c0_i32_1 = arith.constant 0 : i32
    return %c0_i32, %c0_i32_0 : i32, i32
  }
}

</mosaic_0001>

<sc_bundles>
// kernel: kernel.5.cloned.1.call-start
scs
__scs_entry_jumppad:
0x0: {  	(pc) =	sbr.rel $0x88, $3  }
0x1: {  	(tag) =	ssettag $0x0;
	lr =	simm.s32 $0x1  }
0x2: {  	[smem:$0x3F93] =	sst lr;
	_ =	strace $0xD0000000  }
0x3: {  	_ = 	snop  }
0x4: {  	_ = 	snop  }
0x5: {  	_ = 	snop  }
0x6: {  	_ = 	snop  }
0x7: {  	_ = 	snop  }
__scs_overlays_trampoline_lowered:
0x8: {  	[smem:$0x3FA2] =	sst s0  }
0x9: {  	[smem:$0x3FA3] =	sst s1  }
0xa: {  	[smem:$0x3FA4] =	sst s2  }
0xb: {  	[smem:$0x3FA5] =	sst s3  }
0xc: {  	[smem:$0x3FA6] =	sst s4  }
0xd: {  	[smem:$0x3FA7] =	sst s5  }
0xe: {  	[smem:$0x3FA8] =	sst s6  }
0xf: {  	[smem:$0x3FA9] =	sst s7  }
0x10: {  	[smem:$0x3FAA] =	sst s8  }
0x11: {  	[smem:$0x3FAB] =	sst s9;
	s0 =	simm.s32 @!p0 $0x0  }
0x12: {  	s1 =	sld [smem:$0x3F91];
	s0 =	simm.s32 @p0 $0x1  }
0x13: {  	[smem:$0x3FAC] =	sst s0;
	s0 =	simm.s32 @!p1 $0x0  }
0x14: {  	s2 =	sld [smem:$0x3F90];
	s0 =	simm.s32 @p1 $0x1  }
0x15: {  	[smem:$0x3FAD] =	sst s0;
	s0 =	simm.s32 @!p2 $0x0  }
0x16: {  	s3 =	sld [smem:$0x3FDB];
	s0 =	simm.s32 @p2 $0x1  }
0x17: {  	s4 =	simm.s32 $0x1BF5;
	[smem:$0x3FAF] =	sst s0  }
0x18: {  	s0 =	sld [smem:$0x3F92];
	_ =	swait.ge [sflag:s4], $0x0  }
0x19: {  	s7 =	sld [smem:$0x3F93]  }
0x1a: {  	s8 =	sadd.s32 $0xFFFFE003, lr  }
0x1b: {  	s9 =	sadd.s32 $0xFFFFFEF7, lr;
	s5 =	simm.s32 $0xFFFFFFFF;
	p2 =	slt.u32 s8, $0xFFFFF086  }
0x1c: {  	p1 =	slt.u32 s9, $0xF7A;
	s5 =	simm.s32 @!p2 $0x0  }
0x1d: {  	s5 =	simm.s32 @p1 $0x1;
	p0 =	seq.s32 s7, s2  }
0x1e: {  	s7 =	smul.u32 @!p0 $0xF7A, s2;
	p2 =	seq.s32 @!p0 s5, $0x0  }
0x1f: {  	s9 =	smul.u32 $0xF7A, s1;
	s8 =	simm.s32 @!p0 $0x1BF5;
	p2 =	por !p2, p0  }
0x20: {  	[sflag:s8] =	ssyncset.s32 @!p0 $0xFFFFF086;
	s6 =	sadd.s32 @!p0 s3, s7;
	s7 =	simm.s32 @!p0 $0x108  }
0x21: {  	s3 =	sadd.s32 s3, s9;
	s6 =	sadd.s32 @!p0 $0x88, s6;
	s7 =	simm.s32 @p2 $0x1082  }
0x22: {  	[simem:s7], [sflag:s8] =	dma.local @!p0 [hbm:s6], $0xF7A  }
0x23: {  	s9 =	sor.u32 $0xD0000000, s2;
	s6 =	simm.s32 $0x108;
	_ =	swait.ge @!p0 [sflag:s8], $0x0  }
0x24: {  	s3 =	sadd.s32 $0x88, s3;
	s6 =	simm.s32 @!p1 $0x1082;
	[sflag:s4] =	ssyncset.s32 $0xFFFFF086  }
0x25: {  	[simem:s6], [sflag:s4] =	dma.local [hbm:s3], $0xF7A  }
0x26: {  	[smem:$0x3F93] =	sst s1;
	(tag) =	ssettag s2;
	_ =	strace s9  }
0x27: {  	s1 =	sld [smem:$0x3FA3]  }
0x28: {  	s2 =	sld [smem:$0x3FA4]  }
0x29: {  	s4 =	sld [smem:$0x3FA6]  }
0x2a: {  	p0 =	seq.s32 s5, $0x0;
	s5 =	sld [smem:$0x3FA7]  }
0x2b: {  	s6 =	sld [smem:$0x3FA8]  }
0x2c: {  	s7 =	sld [smem:$0x3FA9]  }
0x2d: {  	s3 =	simm.s32 $0x108;
	s8 =	sld [smem:$0x3FAA]  }
0x2e: {  	s3 =	simm.s32 @!p0 $0x1082;
	s9 =	sld [smem:$0x3FAB]  }
0x2f: {  	lr =	sadd.s32 s0, s3;
	s0 =	sld [smem:$0x3FA2]  }
0x30: {  	s3 =	sld [smem:$0x3FA5]  }
0x31: {  	[smem:$0x3FAE] =	sst s10  }
0x32: {  	s10 =	sld [smem:$0x3FAC];
	_ =	sdelay $0x3  }
0x33: {  	p0 =	seq.s32 s10, $0x1;
	s10 =	sld [smem:$0x3FAE];
	_ =	sdelay $0x3  }
0x34: {  	[smem:$0x3FAE] =	sst s10  }
0x35: {  	s10 =	sld [smem:$0x3FAD];
	_ =	sdelay $0x3  }
0x36: {  	p1 =	seq.s32 s10, $0x1;
	s10 =	sld [smem:$0x3FAE];
	_ =	sdelay $0x3  }
0x37: {  	[smem:$0x3FAE] =	sst s10  }
0x38: {  	s10 =	sld [smem:$0x3FAF]  }
0x39: {  	_ = 	snop;
	(pc) =	sbr.ind lr, $3  }
0x3a: {  	_ = 	snop  }
0x3b: {  	_ = 	snop  }
0x3c: {  	p2 =	seq.s32 s10, $0x1;
	s10 =	sld [smem:$0x3FAE]  }
0x3d: {  	_ =	shalt  }
0x3e: {  	_ =	shalt  }
0x3f: {  	_ =	shalt  }
0x40: {  	_ =	shalt  }
0x41: {  	_ =	shalt  }
0x42: {  	_ =	shalt  }
0x43: {  	_ =	shalt  }
0x44: {  	_ =	shalt  }
0x45: {  	_ =	shalt  }
0x46: {  	_ =	shalt  }
0x47: {  	_ =	shalt  }
0x48: {  	_ =	shalt  }
0x49: {  	_ =	shalt  }
0x4a: {  	_ =	shalt  }
0x4b: {  	_ =	shalt  }
0x4c: {  	_ =	shalt  }
0x4d: {  	_ =	shalt  }
0x4e: {  	_ =	shalt  }
0x4f: {  	_ =	shalt  }
0x50: {  	_ =	shalt  }
0x51: {  	_ =	shalt  }
0x52: {  	_ =	shalt  }
0x53: {  	_ =	shalt  }
0x54: {  	_ =	shalt  }
0x55: {  	_ =	shalt  }
0x56: {  	_ =	shalt  }
0x57: {  	_ =	shalt  }
0x58: {  	_ =	shalt  }
0x59: {  	_ =	shalt  }
0x5a: {  	_ =	shalt  }
0x5b: {  	_ =	shalt  }
0x5c: {  	_ =	shalt  }
0x5d: {  	_ =	shalt  }
0x5e: {  	_ =	shalt  }
0x5f: {  	_ =	shalt  }
0x60: {  	_ =	shalt  }
0x61: {  	_ =	shalt  }
0x62: {  	_ =	shalt  }
0x63: {  	_ =	shalt  }
0x64: {  	_ =	shalt  }
0x65: {  	_ =	shalt  }
0x66: {  	_ =	shalt  }
0x67: {  	_ =	shalt  }
0x68: {  	_ =	shalt  }
0x69: {  	_ =	shalt  }
0x6a: {  	_ =	shalt  }
0x6b: {  	_ =	shalt  }
0x6c: {  	_ =	shalt  }
0x6d: {  	_ =	shalt  }
0x6e: {  	_ =	shalt  }
0x6f: {  	_ =	shalt  }
0x70: {  	_ =	shalt  }
0x71: {  	_ =	shalt  }
0x72: {  	_ =	shalt  }
0x73: {  	_ =	shalt  }
0x74: {  	_ =	shalt  }
0x75: {  	_ =	shalt  }
0x76: {  	_ =	shalt  }
0x77: {  	_ =	shalt  }
0x78: {  	_ =	shalt  }
0x79: {  	_ =	shalt  }
0x7a: {  	_ =	shalt  }
0x7b: {  	_ =	shalt  }
0x7c: {  	_ =	shalt  }
0x7d: {  	_ =	shalt  }
0x7e: {  	_ =	shalt  }
0x7f: {  	_ =	shalt  }
0x80: {  	_ =	shalt  }
0x81: {  	_ =	shalt  }
0x82: {  	_ =	shalt  }
0x83: {  	_ =	shalt  }
0x84: {  	_ =	shalt  }
0x85: {  	_ =	shalt  }
0x86: {  	_ =	shalt  }
0x87: {  	_ =	shalt  }
.Lfunc_end0:
.L_simem_size_0:
called_computation_lowered:
.L_overlay_start_0:
0x88: {  	s2 =	sld [smem:$0x3FD9]  }
0x89: {  	s3 =	sld [smem:$0x3FFE];
	_ =	sdelay $0x1  }
0x8a: {  	s1 =	srdreg.scid  }
0x8b: {  	s0 =	sand.u32 $0x1, s1  }
0x8c: {  	s14 =	sshll.u32 s0, $0xA;
	s2 =	sadd.s32 s3, s2  }
0x8d: {  	s2 =	sadd.s32 s2, s14  }
0x8e: {  	[smem:$0x3FBA] =	sst s2  }
0x8f: {  	_ = 	snop  }
0x90: {  	s2 =	sld [smem:$0x3FD0];
	_ =	sdelay $0x2  }
0x91: {  	s15 =	simm.s32 $0xA;
	s4 =	simm.s32 $0x10  }
0x92: {  	[smem:s4], [sflag:s15] =	dma.local [hbm:s2], $0x1  }
0x93: {  	_ =	swait.eq [sflag:s15], $0x1  }
0x94: {  	s16 =	sld [smem:$0x10];
	[sflag:s15] =	ssyncset.done $0x0  }
0x95: {  	s17 =	sld [smem:$0x12];
	[sflag:s15] =	ssyncadd.s32 $0xFFFFFFFF  }
0x96: {  	s18 =	sld [smem:$0x13];
	(tm) =	ssettm $0x1  }
0x97: {  	s5 =	sld [smem:$0x3FFB];
	_ =	sdelay $0x3  }
0x98: {  	_ =	strace s5  }
0x99: {  	s5 =	sld [smem:$0x3FFC];
	_ =	sdelay $0x3  }
0x9a: {  	_ =	strace s5  }
0x9b: {  	s5 =	sld [smem:$0x3FFD];
	_ =	sdelay $0x3  }
0x9c: {  	_ =	strace s5  }
0x9d: {  	_ =	strace $0x8FFFFFFF  }
0x9e: {  	s19 =	sld [smem:$0x3FDB];
	_ =	sdelay $0x1  }
0x9f: {  	s6 =	simm.s32 $_scs_section_size  }
0xa0: {  	s7 =	simm.s32 $_size__tile_overlayer_lowered;
	s8 =	simm.s32 $_tile_overlayer_lowered  }
0xa1: {  	s22 =	simm.s32 $0x1BFF;
	s21 =	sshll.u32 s8, $0x1;
	s5 =	sadd.s32 s6, s19  }
0xa2: {  	s9 =	simm.s32 $0x0;
	s20 =	sshll.u32 s7, $0x1;
	s7 =	sadd.s32 s21, s5  }
0xa3: {  	[timem:s9], [sflag:s22] =	dma.local [hbm:s7], s20  }
0xa4: {  	_ =	swait.ge [sflag:s22], s20  }
0xa5: {  	s6 =	ssub.s32 $0x0, s20;
	[sflag:s22] =	ssyncset.done $0x0  }
0xa6: {  	[sflag:s22] =	ssyncadd.s32 s6;
	_ =	sdelay $0x1  }
0xa7: {  	s23 =	simm.s32 $0x1B8B  }
0xa8: {  	_ =	swait.ge [sflag:s23], $0x1  }
0xa9: {  	[sflag:s23] =	ssyncset.done $0x0  }
0xaa: {  	s25 =	simm.s32 $0x1B8E;
	s24 =	sld [smem:$0x3FFE];
	[sflag:s23] =	ssyncadd.s32 $0xFFFFFFFF  }
0xab: {  	s26 =	simm.s32 $execute0_lowered;
	[smem:$0x3FD2] =	sst s25  }
0xac: {  	s7 =	sshll.u32 s26, $0x1;
	_ =	strace $0x80000046;
	[dreg:$0x1] =	wrdreg $0xFFFFFFFF  }
0xad: {  	s28 =	simm.s32 $_size_execute0_lowered;
	s5 =	sadd.s32 s5, s7;
	[dreg:$0x0] =	wrdreg $0x0  }
0xae: {  	s7 =	sshll.u32 s28, $0x1;
	[dreg:$0x2] =	wrdreg s5  }
0xaf: {  	[dreg:$0x3] =	wrdreg s7  }
0xb0: {  	[dreg:$0x4] =	wrdreg $0xC0  }
0xb1: {  	_ =	task [dreg:s9], $0x5FFFF  }
0xb2: {  	[dreg:$0x1] =	wrdreg $0xFFFFFFFF  }
0xb3: {  	[dreg:$0x0] =	wrdreg $0x60  }
0xb4: {  	[dreg:$0x2] =	wrdreg s18  }
0xb5: {  	[dreg:$0x3] =	wrdreg s16  }
0xb6: {  	[dreg:$0x4] =	wrdreg s24  }
0xb7: {  	[dreg:$0x5] =	wrdreg s17  }
0xb8: {  	[dreg:$0x6] =	wrdreg $0x4A000  }
0xb9: {  	[dreg:$0x7] =	wrdreg $0x9  }
0xba: {  	_ =	task.clear_ibuf [dreg:s9], $0x8FFFF;
	_ =	strace $0x90000046  }
0xbb: {  	s29 =	simm.s32 $0x9;
	_ =	strace $0x80000048  }
0xbc: {  	_ =	swait.ge [sflag:s29], $0x1  }
0xbd: {  	[sflag:s29] =	ssyncadd.s32 $0xFFFFFFFF  }
0xbe: {  	_ =	strace $0x90000048  }
0xbf: {  	_ =	sfence  }
0xc0: {  	s30 =	sld [smem:$0x0];
	_ =	sdelay $0x2  }
0xc1: {  	s31 =	sshll.u32 s1, $0xD;
	s1 =	sshrl.u32 s1, $0x2  }
0xc2: {  	s3 =	sand.u32 $0x4000, s31;
	s1 =	sadd.s32 s1, s30  }
0xc3: {  	s0 =	sor.u32 s3, s0;
	s1 =	sshll.u32 s1, $0x11  }
0xc4: {  	s0 =	sor.u32 s1, s0  }
0xc5: {  	s0 =	sadd.s32 $0x8F2B, s0  }
0xc6: {  	[sflag:s0] =	ssyncadd.remote.s32 $0x1  }
0xc7: {  	_ =	sfence.sel $0xFFFF  }
0xc8: {  	[dreg:$0x0] =	wrdreg $0xFFFFFFFF;
	(pc) =	sbr.abs _section_cstart, $3  }
0xc9: {  	[dreg:$0x1] =	wrdreg $0xFFFFFFFF  }
0xca: {  	_ =	task.clear_ibuf [dreg:s9], $0x2FFFF;
	_ =	strace $0x9FFFFFFF  }
0xcb: {  	(tm) =	ssettm $0x7FFFFFFF  }
tec
execute0_lowered:
.L_overlay_start_1:
0x0: {  	(tag) =	ssettag $0x1  }
0x1: {  	s5 =	rddreg [dreg:$0x0]  }
0x2: {  	s0 =	rddreg [dreg:$0x1]  }
0x3: {  	s21 =	rddreg [dreg:$0x2];
	s1 =	srdreg.scid  }
0x4: {  	s20 =	rddreg [dreg:$0x3];
	s22 =	sand.u32 $0x1, s1  }
0x5: {  	s3 =	rddreg [dreg:$0x4];
	s2 =	stileid.u32;
	s6 =	sshll.u32 s22, $0x4  }
0x6: {  	s4 =	simm.s32 $0x0;
	s1 =	rddreg [dreg:$0x5];
	s23 =	sor.u32 s2, s6  }
0x7: {  	[smem:$0x7FF] =	sst s4;
	s6 =	sshll.u32 s23, $0x6  }
0x8: {  	_ =	strace $0x80000047;
	s6 =	sadd.s32 s5, s6;
	s5 =	simm.s32 $0x2  }
0x9: {  	[tilespmem:s4], [sflag:$0x2] =	stream.linear.gather [hbm4b:s6+s4], $0x200, $0x38;
	[tilespmem:$0x6A00] =	vst v63  }
0xa: {  	_ =	swait.ge [sflag:s5], $0x200  }
0xb: {  	s8 =	simm.s32 $0x4200;
	s9 =	sshll.u32 s2, $0xA;
	[sflag:s5] =	ssyncset.done $0x0  }
0xc: {  	s7 =	sadd.s32 $0x46400, s21;
	s24 =	sshll.u32 s2, $0xD;
	[sflag:s5] =	ssyncadd.s32 $0xFFFFFE00  }
0xd: {  	[tilespmem:s8], [sflag:$0x2] =	stream.linear.gather [hbm4b:s7+s4], $0x800, $0x38;
	[tilespmem:$0x6A00] =	vst v63  }
0xe: {  	s10 =	sshll.u32 s2, $0x6;
	s9 =	sadd.s32 s9, s21;
	_ =	swait.ge [sflag:s5], $0x800  }
0xf: {  	s11 =	sadd.s32 s24, s3;
	s10 =	sor.u32 $0x1C02, s10;
	[sflag:s5] =	ssyncset.done $0x0  }
0x10: {  	s9 =	sadd.s32 $0x42400, s9;
	s11 =	sshrl.u32 s11, $0x3;
	[sflag:s5] =	ssyncadd.s32 $0xFFFFF800  }
0x11: {  	[spmem:s11], [sflag:s10] =	dma.local [hbm:s9], $0x400  }
0x12: {  	_ =	swait.ge [sflag:s5], $0x400  }
0x13: {  	[sflag:s5] =	ssyncset.done $0x0  }
0x14: {  	s12 =	simm.s32 $0x80;
	s13 =	simm.s32 $0x200;
	[sflag:s5] =	ssyncadd.s32 $0xFFFFFC00  }
0x15: {  	[tilespmem:s13], [sflag:$0x1] =	stream.indirect.gather [hbm4b:s0+s12], $0x20, s4, s12, $0xb8;
	[tilespmem:$0x6A00] =	vst v63  }
0x16: {  	s14 =	simm.s32 $0x1200  }
0x17: {  	[tilespmem:s14], [sflag:$0x1] =	stream.indirect.gather [hbm4b:s0+s12], $0x20, s12, s12, $0xb8;
	[tilespmem:$0x6A00] =	vst v63  }
0x18: {  	s15 =	simm.s32 $0x100;
	s16 =	simm.s32 $0x2200  }
0x19: {  	[tilespmem:s16], [sflag:$0x1] =	stream.indirect.gather [hbm4b:s0+s12], $0x20, s15, s12, $0xb8;
	[tilespmem:$0x6A00] =	vst v63  }
0x1a: {  	s17 =	simm.s32 $0x180;
	s18 =	simm.s32 $0x3200  }
0x1b: {  	[tilespmem:s18], [sflag:$0x1] =	stream.indirect.gather [hbm4b:s0+s12], $0x20, s17, s12, $0xb8;
	[tilespmem:$0x6A00] =	vst v63  }
0x1c: {  	[bflag:$0x0] =	sbarrier.arrive $0xFFFF  }
0x1d: {  	[spmem:s3] =	stream.indirect.scatter.add.f32 [tilespmem:s8], [sflag:$0x2], $0x10, s4, s12, $0xb8;
	[tilespmem:$0x6A00] =	vst v63  }
0x1e: {  	_ =	swait.ge [sflag:s5], $0x800  }
0x1f: {  	[sflag:s5] =	ssyncset.done $0x0  }
0x20: {  	[sflag:s5] =	ssyncadd.s32 $0xFFFFF800  }
0x21: {  	[spmem:s3] =	stream.indirect.scatter.add.f32 [tilespmem:s8], [sflag:$0x2], $0x10, s12, s12, $0xb8;
	[tilespmem:$0x6A00] =	vst v63  }
0x22: {  	_ =	swait.ge [sflag:s5], $0x800  }
0x23: {  	[sflag:s5] =	ssyncset.done $0x0  }
0x24: {  	[sflag:s5] =	ssyncadd.s32 $0xFFFFF800  }
0x25: {  	[spmem:s3] =	stream.indirect.scatter.add.f32 [tilespmem:s8], [sflag:$0x2], $0x10, s15, s12, $0xb8;
	[tilespmem:$0x6A00] =	vst v63  }
0x26: {  	_ =	swait.ge [sflag:s5], $0x800  }
0x27: {  	[sflag:s5] =	ssyncset.done $0x0  }
0x28: {  	[sflag:s5] =	ssyncadd.s32 $0xFFFFF800  }
0x29: {  	[spmem:s3] =	stream.indirect.scatter.add.f32 [tilespmem:s8], [sflag:$0x2], $0x10, s17, s12, $0xb8;
	[tilespmem:$0x6A00] =	vst v63  }
0x2a: {  	_ =	swait.ge [sflag:s5], $0x800  }
0x2b: {  	[sflag:s5] =	ssyncset.done $0x0  }
0x2c: {  	s19 =	simm.s32 $0x1;
	[sflag:s5] =	ssyncadd.s32 $0xFFFFF800  }
0x2d: {  	_ =	swait.ge [sflag:s19], $0x1000  }
0x2e: {  	[sflag:s19] =	ssyncset.done $0x0  }
0x2f: {  	[sflag:s19] =	ssyncadd.s32 $0xFFFFF000  }
0x30: {  	_ =	swait.ge [sflag:s19], $0x1000  }
0x31: {  	[sflag:s19] =	ssyncset.done $0x0  }
0x32: {  	[sflag:s19] =	ssyncadd.s32 $0xFFFFF000  }
0x33: {  	_ =	swait.ge [sflag:s19], $0x1000  }
0x34: {  	[sflag:s19] =	ssyncset.done $0x0  }
0x35: {  	[sflag:s19] =	ssyncadd.s32 $0xFFFFF000  }
0x36: {  	s30 =	sshll.u32 s22, $0x11;
	s22 =	ssub.s32 $0x2, s22;
	_ =	swait.ge [sflag:s19], $0x1000  }
0x37: {  	s31 =	sshrl.u32 s22, $0x1;
	s23 =	sshll.u32 s23, $0xB;
	[sflag:s19] =	ssyncset.done $0x0  }
0x38: {  	s22 =	ssub.s32 s22, s31;
	s20 =	sadd.s32 s20, s23;
	[sflag:s19] =	ssyncadd.s32 $0xFFFFF000  }
0x39: {  	[hbm4b:s20+s4] =	stream.linear.scatter [tilespmem:s13], [sflag:$0x2], $0x4000, $0x38;
	[tilespmem:$0x6A00] =	vst v63  }
0x3a: {  	s23 =	sor.u32 s24, s30;
	s22 =	smax.u32 s22, $0x1;
	_ =	swait.ge [sflag:s5], $0x4000  }
0x3b: {  	s23 =	sshrl.u32 s23, $0x3;
	p0 =	sne.s32 s22, $0x1;
	[sflag:s5] =	ssyncset.done $0x0  }
.Ltmp0:
0x3c: {  	s21 =	sadd.s32 s23, s21;
	[sflag:s5] =	ssyncadd.s32 $0xFFFFC000;
	(pc) =	sbr.rel @!p0 .LBB2_2-.Ltmp0, $4  }
0x3d: {  	s21 =	sadd.s32 $0x46600, s21;
	[bflag:$0x0] =	sbarrier.arrive $0xFFFF  }
0x3e: {  	[hbm:s21], [sflag:s10] =	dma.local [spmem:s11], $0x400  }
0x3f: {  	_ =	swait.ge [sflag:s5], $0x400  }
0x40: {  	s22 =	sadd.s32 $0xFFFFFFFF, s22;
	[sflag:s5] =	ssyncset.done $0x0  }
.LBB2_1:
0x41: {  	p0 =	sne.s32 s22, $0x1;
	s22 =	sadd.s32 $0xFFFFFFFF, s22;
	[sflag:s5] =	ssyncadd.s32 $0xFFFFFC00  }
0x42: {  	[tilespmem:s4], [sflag:$0x2] =	stream.linear.gather [hbm4b:s6+s4], $0x200, $0x38;
	[tilespmem:$0x6A00] =	vst v63  }
0x43: {  	_ =	swait.ge [sflag:s5], $0x200  }
0x44: {  	[sflag:s5] =	ssyncset.done $0x0  }
0x45: {  	[sflag:s5] =	ssyncadd.s32 $0xFFFFFE00  }
0x46: {  	[tilespmem:s8], [sflag:$0x2] =	stream.linear.gather [hbm4b:s7+s4], $0x800, $0x38;
	[tilespmem:$0x6A00] =	vst v63  }
0x47: {  	_ =	swait.ge [sflag:s5], $0x800  }
0x48: {  	[sflag:s5] =	ssyncset.done $0x0  }
0x49: {  	[sflag:s5] =	ssyncadd.s32 $0xFFFFF800  }
0x4a: {  	[spmem:s11], [sflag:s10] =	dma.local [hbm:s9], $0x400  }
0x4b: {  	_ =	swait.ge [sflag:s5], $0x400  }
0x4c: {  	[sflag:s5] =	ssyncset.done $0x0  }
0x4d: {  	[sflag:s5] =	ssyncadd.s32 $0xFFFFFC00  }
0x4e: {  	[tilespmem:s13], [sflag:$0x1] =	stream.indirect.gather [hbm4b:s0+s12], $0x20, s4, s12, $0xb8;
	[tilespmem:$0x6A00] =	vst v63  }
0x4f: {  	_ = 	snop  }
0x50: {  	[tilespmem:s14], [sflag:$0x1] =	stream.indirect.gather [hbm4b:s0+s12], $0x20, s12, s12, $0xb8;
	[tilespmem:$0x6A00] =	vst v63  }
0x51: {  	_ = 	snop  }
0x52: {  	[tilespmem:s16], [sflag:$0x1] =	stream.indirect.gather [hbm4b:s0+s12], $0x20, s15, s12, $0xb8;
	[tilespmem:$0x6A00] =	vst v63  }
0x53: {  	_ = 	snop  }
0x54: {  	[tilespmem:s18], [sflag:$0x1] =	stream.indirect.gather [hbm4b:s0+s12], $0x20, s17, s12, $0xb8;
	[tilespmem:$0x6A00] =	vst v63  }
0x55: {  	[bflag:$0x0] =	sbarrier.arrive $0xFFFF  }
0x56: {  	[spmem:s3] =	stream.indirect.scatter.add.f32 [tilespmem:s8], [sflag:$0x2], $0x10, s4, s12, $0xb8;
	[tilespmem:$0x6A00] =	vst v63  }
0x57: {  	_ =	swait.ge [sflag:s5], $0x800  }
0x58: {  	[sflag:s5] =	ssyncset.done $0x0  }
0x59: {  	[sflag:s5] =	ssyncadd.s32 $0xFFFFF800  }
0x5a: {  	[spmem:s3] =	stream.indirect.scatter.add.f32 [tilespmem:s8], [sflag:$0x2], $0x10, s12, s12, $0xb8;
	[tilespmem:$0x6A00] =	vst v63  }
0x5b: {  	_ =	swait.ge [sflag:s5], $0x800  }
0x5c: {  	[sflag:s5] =	ssyncset.done $0x0  }
0x5d: {  	[sflag:s5] =	ssyncadd.s32 $0xFFFFF800  }
0x5e: {  	[spmem:s3] =	stream.indirect.scatter.add.f32 [tilespmem:s8], [sflag:$0x2], $0x10, s15, s12, $0xb8;
	[tilespmem:$0x6A00] =	vst v63  }
0x5f: {  	_ =	swait.ge [sflag:s5], $0x800  }
0x60: {  	[sflag:s5] =	ssyncset.done $0x0  }
0x61: {  	[sflag:s5] =	ssyncadd.s32 $0xFFFFF800  }
0x62: {  	[spmem:s3] =	stream.indirect.scatter.add.f32 [tilespmem:s8], [sflag:$0x2], $0x10, s17, s12, $0xb8;
	[tilespmem:$0x6A00] =	vst v63  }
0x63: {  	_ =	swait.ge [sflag:s5], $0x800  }
0x64: {  	[sflag:s5] =	ssyncset.done $0x0  }
0x65: {  	[sflag:s5] =	ssyncadd.s32 $0xFFFFF800  }
0x66: {  	_ =	swait.ge [sflag:s19], $0x1000  }
0x67: {  	[sflag:s19] =	ssyncset.done $0x0  }
0x68: {  	[sflag:s19] =	ssyncadd.s32 $0xFFFFF000  }
0x69: {  	_ =	swait.ge [sflag:s19], $0x1000  }
0x6a: {  	[sflag:s19] =	ssyncset.done $0x0  }
0x6b: {  	[sflag:s19] =	ssyncadd.s32 $0xFFFFF000  }
0x6c: {  	_ =	swait.ge [sflag:s19], $0x1000  }
0x6d: {  	[sflag:s19] =	ssyncset.done $0x0  }
0x6e: {  	[sflag:s19] =	ssyncadd.s32 $0xFFFFF000  }
0x6f: {  	_ =	swait.ge [sflag:s19], $0x1000  }
0x70: {  	[sflag:s19] =	ssyncset.done $0x0  }
0x71: {  	[sflag:s19] =	ssyncadd.s32 $0xFFFFF000  }
0x72: {  	[hbm4b:s20+s4] =	stream.linear.scatter [tilespmem:s13], [sflag:$0x2], $0x4000, $0x38;
	[tilespmem:$0x6A00] =	vst v63  }
0x73: {  	_ =	swait.ge [sflag:s5], $0x4000  }
0x74: {  	[sflag:s5] =	ssyncset.done $0x0  }
.Ltmp1:
0x75: {  	[sflag:s5] =	ssyncadd.s32 $0xFFFFC000;
	(pc) =	sbr.rel @p0 .LBB2_1-.Ltmp1, $4  }
0x76: {  	[bflag:$0x0] =	sbarrier.arrive $0xFFFF  }
0x77: {  	[hbm:s21], [sflag:s10] =	dma.local [spmem:s11], $0x400  }
0x78: {  	_ =	swait.ge [sflag:s5], $0x400  }
0x79: {  	[sflag:s5] =	ssyncset.done $0x0  }
.LBB2_2:
0x7a: {  	[sflag:s5] =	ssyncadd.s32 $0xFFFFFC00  }
0x7b: {  	_ =	sfence.sel $0x180000  }
0x7c: {  	[bflag:$0x0] =	sbarrier.arrive $0xFFFF  }
0x7d: {  	p0 =	sne.s32 s2, $0x0;
	_ =	strace $0x90000047  }
0x7e: {  	s0 =	sadd.s32 @!p0 $0x100000, s1;
	[bflag:$0x2] =	sbarrier.arrive $0xFFFF  }
0x7f: {  	[sflag:s0] =	ssyncadd.tile.s32 @!p0 $0x1;
	_ =	shalt  }
.Lfunc_end2:
_tile_overlayer_lowered:
.L_overlay_start_2:
0x80: {  	(tag) =	ssettag $0x2  }
0x81: {  	s0 =	rddreg [dreg:$0x0];
	s2 =	stileid.u32  }
0x82: {  	s1 =	rddreg [dreg:$0x1];
	p0 =	sne.s32 s2, $0x0  }
0x83: {  	s3 =	rddreg [dreg:$0x2];
	[bflag:$0x3] =	sbarrier.arrive $0xFFFF;
	s2 =	simm.s32 @!p0 $0x1C02  }
0x84: {  	[timem:s3], [sflag:s2] =	dma.local @!p0 [hbm:s0], s1  }
0x85: {  	s0 =	simm.s32 @!p0 $0x2  }
0x86: {  	_ =	swait.ge @!p0 [sflag:s0], s1  }
0x87: {  	s1 =	ssub.s32 @!p0 $0x0, s1;
	[sflag:s0] =	ssyncset.done @!p0 $0x0  }
0x88: {  	[sflag:s0] =	ssyncadd.s32 @!p0 s1  }
0x89: {  	[bflag:$0x3] =	sbarrier.arrive $0xFFFF  }
0x8a: {  	_ =	shalt  }

</sc_bundles>
